<compile_context>
chip_gen: v7x
topology: tpu7x:2x2x1
jax: 0.10.2.dev20260603
libtpu: 0.0.44.dev20260713+nightly
codegen_flags: <defaults>
</compile_context>

<pallas_src>
import jax
import jax.numpy as jnp
from jax import lax
from jax.experimental import pallas as pl
from jax.experimental.pallas import tpu as pltpu
from jax.experimental.pallas import tpu_sc as plsc

_C = 256
_HW = 4096
_N = 32768
_NC = 2
_NS = 16
_L = 16
_PKC = _C // 2
_CPT = _PKC // _NS
_NSAMP = _N // _NC
_CH = 2048
_NCHUNK = _NSAMP // _CH
_GPC = _CH // _L


def _sc_body(fmr_hbm, sr_hbm, ii_hbm, ij_hbm, out_hbm,
             tblf_v, tbls_v, ii_v, ip_v, jj_v, jp_v,
             pacc_v, isem, osem):
    cid = lax.axis_index("c")
    sid = lax.axis_index("s")
    sbase = cid * _NSAMP

    t1 = pltpu.async_copy(fmr_hbm.at[pl.ds(sid * _CPT, _CPT)], tblf_v, osem.at[0])
    t2 = pltpu.async_copy(sr_hbm.at[pl.ds(sid * _CPT, _CPT)], tbls_v, osem.at[1])
    t1.wait()
    t2.wait()

    bzero = jnp.zeros((2 * _L,), jnp.bfloat16)

    def fetch_idx(ch, par):
        off = sbase + ch * _CH
        sem = isem.at[par]
        pltpu.async_copy(ii_hbm.at[pl.ds(off, _CH)], ii_v.at[par], sem)
        pltpu.async_copy(ii_hbm.at[pl.ds(_N + off, _CH)], ip_v.at[par], sem)
        pltpu.async_copy(ij_hbm.at[pl.ds(off, _CH)], jj_v.at[par], sem)
        pltpu.async_copy(ij_hbm.at[pl.ds(_N + off, _CH)], jp_v.at[par], sem)

    def drain_idx(par):
        sem = isem.at[par]
        dummy = ii_hbm.at[pl.ds(0, _CH)]
        pltpu.make_async_copy(dummy, ii_v.at[par], sem).wait()
        pltpu.make_async_copy(dummy, ip_v.at[par], sem).wait()
        pltpu.make_async_copy(dummy, jj_v.at[par], sem).wait()
        pltpu.make_async_copy(dummy, jp_v.at[par], sem).wait()

    def put_out(ch, par):
        sem = osem.at[par]
        cols = pl.ds(sbase + ch * _CH, _CH)
        for role in range(4):
            pltpu.async_copy(pacc_v.at[par, role],
                             out_hbm.at[role, sid, cols], sem)

    def drain_out(par):
        sem = osem.at[par]
        dummy = out_hbm.at[0, 0, pl.ds(0, _CH)]
        for role in range(4):
            pltpu.make_async_copy(dummy, pacc_v.at[par, role], sem).wait()

    fetch_idx(0, 0)
    fetch_idx(1, 1)

    def chunk_loop(ch, _):
        par = lax.rem(ch, 2)
        drain_idx(par)

        @pl.when(ch >= 2)
        def _():
            drain_out(par)

        iir = ii_v.at[par]
        ipr = ip_v.at[par]
        jjr = jj_v.at[par]
        jpr = jp_v.at[par]
        pa0 = pacc_v.at[par, 0]
        pa1 = pacc_v.at[par, 1]
        pa2 = pacc_v.at[par, 2]
        pa3 = pacc_v.at[par, 3]

        @plsc.parallel_loop(0, _GPC, 1, unroll=2)
        def group(g):
            gb = g * _L
            i_vec = iir[pl.ds(gb, _L)]
            ip_vec = ipr[pl.ds(gb, _L)]
            j_vec = jjr[pl.ds(gb, _L)]
            jp_vec = jpr[pl.ds(gb, _L)]
            p1 = bzero
            p2 = bzero
            p3 = bzero
            p4 = bzero
            for c in range(_CPT):
                a = plsc.bitcast(plsc.load_gather(tblf_v.at[c], [i_vec]),
                                 jnp.bfloat16)
                b = plsc.bitcast(plsc.load_gather(tblf_v.at[c], [ip_vec]),
                                 jnp.bfloat16)
                cs = plsc.bitcast(plsc.load_gather(tbls_v.at[c], [j_vec]),
                                  jnp.bfloat16)
                ds_ = plsc.bitcast(plsc.load_gather(tbls_v.at[c], [jp_vec]),
                                   jnp.bfloat16)
                p1 = p1 + a * b
                p2 = p2 + cs * ds_
                p3 = p3 + a * ds_
                p4 = p4 + cs * b
            u0, u1 = plsc.unpack(p1, format=plsc.PackFormat.INTERLEAVED)
            pa0[pl.ds(gb, _L)] = u0 + u1
            u0, u1 = plsc.unpack(p2, format=plsc.PackFormat.INTERLEAVED)
            pa1[pl.ds(gb, _L)] = u0 + u1
            u0, u1 = plsc.unpack(p3, format=plsc.PackFormat.INTERLEAVED)
            pa2[pl.ds(gb, _L)] = u0 + u1
            u0, u1 = plsc.unpack(p4, format=plsc.PackFormat.INTERLEAVED)
            pa3[pl.ds(gb, _L)] = u0 + u1
        put_out(ch, par)

        @pl.when(ch < _NCHUNK - 2)
        def _():
            fetch_idx(ch + 2, par)

        return 0

    lax.fori_loop(0, _NCHUNK, chunk_loop, 0)
    drain_out(0)
    drain_out(1)


def _poly_loss_sc(fmr, sr, idx_i, idx_j):
    mesh = plsc.VectorSubcoreMesh(core_axis_name="c", subcore_axis_name="s")
    call = pl.kernel(
        _sc_body,
        out_type=jax.ShapeDtypeStruct((4, _NS, _N), jnp.float32),
        mesh=mesh,
        scratch_types=[
            pltpu.VMEM((_CPT, _HW), jnp.int32),
            pltpu.VMEM((_CPT, _HW), jnp.int32),
            pltpu.VMEM((2, _CH), jnp.int32),
            pltpu.VMEM((2, _CH), jnp.int32),
            pltpu.VMEM((2, _CH), jnp.int32),
            pltpu.VMEM((2, _CH), jnp.int32),
            pltpu.VMEM((2, 4, _CH), jnp.float32),
            pltpu.SemaphoreType.DMA((2,)),
            pltpu.SemaphoreType.DMA((2,)),
        ],
        compiler_params=pltpu.CompilerParams(
            needs_layout_passes=False,
            use_tc_tiling_on_sc=False,
            disable_bounds_checks=True,
        ),
    )
    return call(fmr, sr, idx_i, idx_j)


_TCBLK = 8192


def _combine_body(p_ref, o_ref):
    k = pl.program_id(0)
    x = p_ref[...]
    s = jnp.sum(x, axis=1)
    q = s * s
    psum = jnp.sum(q[0:2]) - jnp.sum(q[2:4])

    @pl.when(k == 0)
    def _():
        o_ref[0, 0] = psum

    @pl.when(k != 0)
    def _():
        o_ref[0, 0] += psum


def _combine(p):
    grid = _N // _TCBLK
    return pl.pallas_call(
        _combine_body,
        grid=(grid,),
        in_specs=[pl.BlockSpec((4, _NS, _TCBLK), lambda k: (0, 0, k))],
        out_specs=pl.BlockSpec(memory_space=pltpu.SMEM),
        out_shape=jax.ShapeDtypeStruct((1, 1), jnp.float32),
    )(p)


def _pack_table(x, c):
    u = jax.lax.bitcast_convert_type(x.astype(jnp.bfloat16), jnp.uint16)
    lo = u[: c // 2].astype(jnp.uint32)
    hi = u[c // 2:].astype(jnp.uint32)
    return jax.lax.bitcast_convert_type(lo | (hi << 16), jnp.int32)


def kernel(input, target, idx_i, idx_j):
    c = input.shape[1]
    fmr = _pack_table(input.reshape(c, -1), c)
    sr = _pack_table(target.reshape(c, -1), c)
    p = _poly_loss_sc(fmr, sr, idx_i, idx_j)
    total = _combine(p)
    n = idx_i.shape[0] // 2
    return total[0, 0] / jnp.float32(n) / jnp.float32(c * c)

# --- scband reference (transcript-rebuilt; emitter-appended) ---
"""Pipeline reference for scband-polynomial-loss-stochastic-83365315215383 (READ-ONLY COPY).

The authoritative reference and input builder live on the scoring server;
editing this copy changes nothing except your own understanding.
"""

import jax, jax.numpy as jnp
import numpy as np

C_KERNEL = 0.0
D_KERNEL = 2


def setup_inputs(seed: int = 0) -> dict:
    key = jax.random.key(seed)
    k1, k2, k3, k4 = jax.random.split(key, 4)
    inp = jax.random.normal(k1, (1, 256, 64, 64), dtype=jnp.float32)
    tgt = jax.random.normal(k2, (1, 256, 64, 64), dtype=jnp.float32)
    hw_input = 64 * 64
    hw_target = 64 * 64
    num_samples = int((hw_input * hw_target) ** 0.5)
    num_samples = int(num_samples ** (5 / 4))  # 32768
    idx_i = jax.random.randint(k3, (2 * num_samples,), 0, hw_input, dtype=jnp.int32)
    idx_j = jax.random.randint(k4, (2 * num_samples,), 0, hw_target, dtype=jnp.int32)
    return {"input": inp, "target": tgt, "idx_i": idx_i, "idx_j": idx_j}


def _compute_kernel(A, B):
    scalar_product = (A * B).sum(axis=1)
    kernel_res = (scalar_product + C_KERNEL) ** D_KERNEL
    return kernel_res.mean()


def reference(input, target, idx_i, idx_j):
    c = input.shape[1]
    Fm = input.reshape(c, -1).T  # [hw, c]
    S = target.reshape(c, -1).T  # [hw, c]
    n = idx_i.shape[0] // 2
    i, i_prime = idx_i[:n], idx_i[n:]
    j, j_prime = idx_j[:n], idx_j[n:]
    Fi = jnp.take(Fm, i, axis=0)
    Fip = jnp.take(Fm, i_prime, axis=0)
    Sj = jnp.take(S, j, axis=0)
    Sjp = jnp.take(S, j_prime, axis=0)
    loss = (_compute_kernel(Fi, Fip) + _compute_kernel(Sj, Sjp)
            - _compute_kernel(Fi, Sjp) - _compute_kernel(Sj, Fip))
    return loss / c ** 2

if __name__ == "__main__":
    import jax
    _d = setup_inputs()
    print(jax.jit(kernel)(*tuple(_d.values())))

</pallas_src>

<mosaic_0001>
#map = affine_map<(d0, d1) -> (0, 0)>
#map1 = affine_map<(d0, d1) -> (0)>
#map2 = affine_map<(d0, d1) -> (0, 0, 0)>
module attributes {stable_mosaic.version = 14 : i64} {
  func.func @_sc_body(%arg0: i32, %arg1: i32, %arg2: memref<128x4096xi32, #tpu.memory_space<hbm>>, %arg3: memref<128x4096xi32, #tpu.memory_space<hbm>>, %arg4: memref<65536xi32, #tpu.memory_space<hbm>>, %arg5: memref<65536xi32, #tpu.memory_space<hbm>>, %arg6: memref<4x16x32768xf32, #tpu.memory_space<hbm>>, %arg7: memref<8x4096xi32, #tpu.memory_space<vmem>>, %arg8: memref<8x4096xi32, #tpu.memory_space<vmem>>, %arg9: memref<2x2048xi32, #tpu.memory_space<vmem>>, %arg10: memref<2x2048xi32, #tpu.memory_space<vmem>>, %arg11: memref<2x2048xi32, #tpu.memory_space<vmem>>, %arg12: memref<2x2048xi32, #tpu.memory_space<vmem>>, %arg13: memref<2x4x2048xf32, #tpu.memory_space<vmem>>, %arg14: memref<2x!tpu.dma_semaphore, #tpu.memory_space<semaphore_mem>>, %arg15: memref<2x!tpu.dma_semaphore, #tpu.memory_space<semaphore_mem>>) attributes {dimension_semantics = [#tpu.dimension_semantics<core_parallel>, #tpu.dimension_semantics<subcore_parallel>], iteration_bounds = array<i64: 2, 16>, scalar_prefetch = 0 : i64, scratch_operands = 9 : i64, tpu.core_type = #tpu.core_type<sc_vector_subcore>, window_params = [{transform_indices = #map}, {transform_indices = #map}, {transform_indices = #map1}, {transform_indices = #map1}, {transform_indices = #map2}]} {
    %mul3A = arith.constant 16384 : i32
    %mul3A_0 = arith.muli %arg0, %mul3A : i32
    %mul3A_1 = arith.constant 8 : i32
    %mul3A_2 = arith.muli %arg1, %mul3A_1 : i32
    %dma_start3A = arith.constant 0 : i32
    %dma_start3A_3 = arith.constant 0 : i32
    %dma_start3A_4 = tpu.memref_slice %arg2[%mul3A_2, %dma_start3A_3] : memref<128x4096xi32, #tpu.memory_space<hbm>> -> memref<8x4096xi32, #tpu.memory_space<hbm>>
    %dma_start3A_5 = tpu.memref_slice %arg15[%dma_start3A] : memref<2x!tpu.dma_semaphore, #tpu.memory_space<semaphore_mem>> -> memref<1x!tpu.dma_semaphore, #tpu.memory_space<semaphore_mem>>
    %dma_start3A_6 = tpu.memref_squeeze %dma_start3A_5 : memref<1x!tpu.dma_semaphore, #tpu.memory_space<semaphore_mem>> -> memref<!tpu.dma_semaphore, #tpu.memory_space<semaphore_mem>>
    %dma_start3A_7 = arith.constant 0 : i32
    %dma_start3A_8 = tpu.memref_slice %arg2[%mul3A_2, %dma_start3A_7] : memref<128x4096xi32, #tpu.memory_space<hbm>> -> memref<8x4096xi32, #tpu.memory_space<hbm>>
    tpu.enqueue_dma source(%dma_start3A_8 : memref<8x4096xi32, #tpu.memory_space<hbm>>) target(%arg7 : memref<8x4096xi32, #tpu.memory_space<vmem>>) target_semaphore(%dma_start3A_6 : memref<!tpu.dma_semaphore, #tpu.memory_space<semaphore_mem>>)
    %mul3A_9 = arith.constant 8 : i32
    %mul3A_10 = arith.muli %arg1, %mul3A_9 : i32
    %dma_start3A_11 = arith.constant 1 : i32
    %dma_start3A_12 = arith.constant 0 : i32
    %dma_start3A_13 = tpu.memref_slice %arg3[%mul3A_10, %dma_start3A_12] : memref<128x4096xi32, #tpu.memory_space<hbm>> -> memref<8x4096xi32, #tpu.memory_space<hbm>>
    %dma_start3A_14 = tpu.memref_slice %arg15[%dma_start3A_11] : memref<2x!tpu.dma_semaphore, #tpu.memory_space<semaphore_mem>> -> memref<1x!tpu.dma_semaphore, #tpu.memory_space<semaphore_mem>>
    %dma_start3A_15 = tpu.memref_squeeze %dma_start3A_14 : memref<1x!tpu.dma_semaphore, #tpu.memory_space<semaphore_mem>> -> memref<!tpu.dma_semaphore, #tpu.memory_space<semaphore_mem>>
    %dma_start3A_16 = arith.constant 0 : i32
    %dma_start3A_17 = tpu.memref_slice %arg3[%mul3A_10, %dma_start3A_16] : memref<128x4096xi32, #tpu.memory_space<hbm>> -> memref<8x4096xi32, #tpu.memory_space<hbm>>
    tpu.enqueue_dma source(%dma_start3A_17 : memref<8x4096xi32, #tpu.memory_space<hbm>>) target(%arg8 : memref<8x4096xi32, #tpu.memory_space<vmem>>) target_semaphore(%dma_start3A_15 : memref<!tpu.dma_semaphore, #tpu.memory_space<semaphore_mem>>)
    %dma_wait3A = arith.constant 0 : i32
    %dma_wait3A_18 = arith.constant 0 : i32
    %dma_wait3A_19 = tpu.memref_slice %arg2[%mul3A_2, %dma_wait3A_18] : memref<128x4096xi32, #tpu.memory_space<hbm>> -> memref<8x4096xi32, #tpu.memory_space<hbm>>
    %dma_wait3A_20 = tpu.memref_slice %arg15[%dma_wait3A] : memref<2x!tpu.dma_semaphore, #tpu.memory_space<semaphore_mem>> -> memref<1x!tpu.dma_semaphore, #tpu.memory_space<semaphore_mem>>
    %dma_wait3A_21 = tpu.memref_squeeze %dma_wait3A_20 : memref<1x!tpu.dma_semaphore, #tpu.memory_space<semaphore_mem>> -> memref<!tpu.dma_semaphore, #tpu.memory_space<semaphore_mem>>
    %dma_wait3A_22 = arith.constant 0 : i32
    %dma_wait3A_23 = tpu.memref_slice %arg2[%mul3A_2, %dma_wait3A_22] : memref<128x4096xi32, #tpu.memory_space<hbm>> -> memref<8x4096xi32, #tpu.memory_space<hbm>>
    tpu.wait_dma2 semaphore(%dma_wait3A_21 : memref<!tpu.dma_semaphore, #tpu.memory_space<semaphore_mem>>) src(%dma_wait3A_23 : memref<8x4096xi32, #tpu.memory_space<hbm>>) dst(%arg7 : memref<8x4096xi32, #tpu.memory_space<vmem>>)
    %dma_wait3A_24 = arith.constant 1 : i32
    %dma_wait3A_25 = arith.constant 0 : i32
    %dma_wait3A_26 = tpu.memref_slice %arg3[%mul3A_10, %dma_wait3A_25] : memref<128x4096xi32, #tpu.memory_space<hbm>> -> memref<8x4096xi32, #tpu.memory_space<hbm>>
    %dma_wait3A_27 = tpu.memref_slice %arg15[%dma_wait3A_24] : memref<2x!tpu.dma_semaphore, #tpu.memory_space<semaphore_mem>> -> memref<1x!tpu.dma_semaphore, #tpu.memory_space<semaphore_mem>>
    %dma_wait3A_28 = tpu.memref_squeeze %dma_wait3A_27 : memref<1x!tpu.dma_semaphore, #tpu.memory_space<semaphore_mem>> -> memref<!tpu.dma_semaphore, #tpu.memory_space<semaphore_mem>>
    %dma_wait3A_29 = arith.constant 0 : i32
    %dma_wait3A_30 = tpu.memref_slice %arg3[%mul3A_10, %dma_wait3A_29] : memref<128x4096xi32, #tpu.memory_space<hbm>> -> memref<8x4096xi32, #tpu.memory_space<hbm>>
    tpu.wait_dma2 semaphore(%dma_wait3A_28 : memref<!tpu.dma_semaphore, #tpu.memory_space<semaphore_mem>>) src(%dma_wait3A_30 : memref<8x4096xi32, #tpu.memory_space<hbm>>) dst(%arg8 : memref<8x4096xi32, #tpu.memory_space<vmem>>)
    %broadcast_in_dim3A = arith.constant 0.000000e+00 : bf16
    %broadcast_in_dim3A_31 = vector.broadcast %broadcast_in_dim3A : bf16 to vector<32xbf16>
    %add3A = arith.constant 0 : i32
    %add3A_32 = arith.addi %mul3A_0, %add3A : i32
    %dma_start3A_33 = arith.constant 0 : i32
    %dma_start3A_34 = arith.constant 0 : i32
    %dma_start3A_35 = arith.constant 0 : i32
    %dma_start3A_36 = tpu.memref_slice %arg9[%dma_start3A_33, %dma_start3A_35] : memref<2x2048xi32, #tpu.memory_space<vmem>> -> memref<1x2048xi32, #tpu.memory_space<vmem>>
    %dma_start3A_37 = tpu.memref_squeeze %dma_start3A_36 : memref<1x2048xi32, #tpu.memory_space<vmem>> -> memref<2048xi32, #tpu.memory_space<vmem>>
    %dma_start3A_38 = tpu.memref_slice %arg4[%add3A_32] : memref<65536xi32, #tpu.memory_space<hbm>> -> memref<2048xi32, #tpu.memory_space<hbm>>
    %dma_start3A_39 = tpu.memref_slice %arg14[%dma_start3A_34] : memref<2x!tpu.dma_semaphore, #tpu.memory_space<semaphore_mem>> -> memref<1x!tpu.dma_semaphore, #tpu.memory_space<semaphore_mem>>
    %dma_start3A_40 = tpu.memref_squeeze %dma_start3A_39 : memref<1x!tpu.dma_semaphore, #tpu.memory_space<semaphore_mem>> -> memref<!tpu.dma_semaphore, #tpu.memory_space<semaphore_mem>>
    %dma_start3A_41 = arith.constant 0 : i32
    %dma_start3A_42 = tpu.memref_slice %arg9[%dma_start3A_33, %dma_start3A_41] : memref<2x2048xi32, #tpu.memory_space<vmem>> -> memref<1x2048xi32, #tpu.memory_space<vmem>>
    %dma_start3A_43 = tpu.memref_squeeze %dma_start3A_42 : memref<1x2048xi32, #tpu.memory_space<vmem>> -> memref<2048xi32, #tpu.memory_space<vmem>>
    %dma_start3A_44 = tpu.memref_slice %arg4[%add3A_32] : memref<65536xi32, #tpu.memory_space<hbm>> -> memref<2048xi32, #tpu.memory_space<hbm>>
    tpu.enqueue_dma source(%dma_start3A_44 : memref<2048xi32, #tpu.memory_space<hbm>>) target(%dma_start3A_43 : memref<2048xi32, #tpu.memory_space<vmem>>) target_semaphore(%dma_start3A_40 : memref<!tpu.dma_semaphore, #tpu.memory_space<semaphore_mem>>)
    %add3A_45 = arith.constant 32768 : i32
    %add3A_46 = arith.addi %add3A_45, %add3A_32 : i32
    %dma_start3A_47 = arith.constant 0 : i32
    %dma_start3A_48 = arith.constant 0 : i32
    %dma_start3A_49 = arith.constant 0 : i32
    %dma_start3A_50 = tpu.memref_slice %arg10[%dma_start3A_47, %dma_start3A_49] : memref<2x2048xi32, #tpu.memory_space<vmem>> -> memref<1x2048xi32, #tpu.memory_space<vmem>>
    %dma_start3A_51 = tpu.memref_squeeze %dma_start3A_50 : memref<1x2048xi32, #tpu.memory_space<vmem>> -> memref<2048xi32, #tpu.memory_space<vmem>>
    %dma_start3A_52 = tpu.memref_slice %arg4[%add3A_46] : memref<65536xi32, #tpu.memory_space<hbm>> -> memref<2048xi32, #tpu.memory_space<hbm>>
    %dma_start3A_53 = tpu.memref_slice %arg14[%dma_start3A_48] : memref<2x!tpu.dma_semaphore, #tpu.memory_space<semaphore_mem>> -> memref<1x!tpu.dma_semaphore, #tpu.memory_space<semaphore_mem>>
    %dma_start3A_54 = tpu.memref_squeeze %dma_start3A_53 : memref<1x!tpu.dma_semaphore, #tpu.memory_space<semaphore_mem>> -> memref<!tpu.dma_semaphore, #tpu.memory_space<semaphore_mem>>
    %dma_start3A_55 = arith.constant 0 : i32
    %dma_start3A_56 = tpu.memref_slice %arg10[%dma_start3A_47, %dma_start3A_55] : memref<2x2048xi32, #tpu.memory_space<vmem>> -> memref<1x2048xi32, #tpu.memory_space<vmem>>
    %dma_start3A_57 = tpu.memref_squeeze %dma_start3A_56 : memref<1x2048xi32, #tpu.memory_space<vmem>> -> memref<2048xi32, #tpu.memory_space<vmem>>
    %dma_start3A_58 = tpu.memref_slice %arg4[%add3A_46] : memref<65536xi32, #tpu.memory_space<hbm>> -> memref<2048xi32, #tpu.memory_space<hbm>>
    tpu.enqueue_dma source(%dma_start3A_58 : memref<2048xi32, #tpu.memory_space<hbm>>) target(%dma_start3A_57 : memref<2048xi32, #tpu.memory_space<vmem>>) target_semaphore(%dma_start3A_54 : memref<!tpu.dma_semaphore, #tpu.memory_space<semaphore_mem>>)
    %dma_start3A_59 = arith.constant 0 : i32
    %dma_start3A_60 = arith.constant 0 : i32
    %dma_start3A_61 = arith.constant 0 : i32
    %dma_start3A_62 = tpu.memref_slice %arg11[%dma_start3A_59, %dma_start3A_61] : memref<2x2048xi32, #tpu.memory_space<vmem>> -> memref<1x2048xi32, #tpu.memory_space<vmem>>
    %dma_start3A_63 = tpu.memref_squeeze %dma_start3A_62 : memref<1x2048xi32, #tpu.memory_space<vmem>> -> memref<2048xi32, #tpu.memory_space<vmem>>
    %dma_start3A_64 = tpu.memref_slice %arg5[%add3A_32] : memref<65536xi32, #tpu.memory_space<hbm>> -> memref<2048xi32, #tpu.memory_space<hbm>>
    %dma_start3A_65 = tpu.memref_slice %arg14[%dma_start3A_60] : memref<2x!tpu.dma_semaphore, #tpu.memory_space<semaphore_mem>> -> memref<1x!tpu.dma_semaphore, #tpu.memory_space<semaphore_mem>>
    %dma_start3A_66 = tpu.memref_squeeze %dma_start3A_65 : memref<1x!tpu.dma_semaphore, #tpu.memory_space<semaphore_mem>> -> memref<!tpu.dma_semaphore, #tpu.memory_space<semaphore_mem>>
    %dma_start3A_67 = arith.constant 0 : i32
    %dma_start3A_68 = tpu.memref_slice %arg11[%dma_start3A_59, %dma_start3A_67] : memref<2x2048xi32, #tpu.memory_space<vmem>> -> memref<1x2048xi32, #tpu.memory_space<vmem>>
    %dma_start3A_69 = tpu.memref_squeeze %dma_start3A_68 : memref<1x2048xi32, #tpu.memory_space<vmem>> -> memref<2048xi32, #tpu.memory_space<vmem>>
    %dma_start3A_70 = tpu.memref_slice %arg5[%add3A_32] : memref<65536xi32, #tpu.memory_space<hbm>> -> memref<2048xi32, #tpu.memory_space<hbm>>
    tpu.enqueue_dma source(%dma_start3A_70 : memref<2048xi32, #tpu.memory_space<hbm>>) target(%dma_start3A_69 : memref<2048xi32, #tpu.memory_space<vmem>>) target_semaphore(%dma_start3A_66 : memref<!tpu.dma_semaphore, #tpu.memory_space<semaphore_mem>>)
    %add3A_71 = arith.constant 32768 : i32
    %add3A_72 = arith.addi %add3A_71, %add3A_32 : i32
    %dma_start3A_73 = arith.constant 0 : i32
    %dma_start3A_74 = arith.constant 0 : i32
    %dma_start3A_75 = arith.constant 0 : i32
    %dma_start3A_76 = tpu.memref_slice %arg12[%dma_start3A_73, %dma_start3A_75] : memref<2x2048xi32, #tpu.memory_space<vmem>> -> memref<1x2048xi32, #tpu.memory_space<vmem>>
    %dma_start3A_77 = tpu.memref_squeeze %dma_start3A_76 : memref<1x2048xi32, #tpu.memory_space<vmem>> -> memref<2048xi32, #tpu.memory_space<vmem>>
    %dma_start3A_78 = tpu.memref_slice %arg5[%add3A_72] : memref<65536xi32, #tpu.memory_space<hbm>> -> memref<2048xi32, #tpu.memory_space<hbm>>
    %dma_start3A_79 = tpu.memref_slice %arg14[%dma_start3A_74] : memref<2x!tpu.dma_semaphore, #tpu.memory_space<semaphore_mem>> -> memref<1x!tpu.dma_semaphore, #tpu.memory_space<semaphore_mem>>
    %dma_start3A_80 = tpu.memref_squeeze %dma_start3A_79 : memref<1x!tpu.dma_semaphore, #tpu.memory_space<semaphore_mem>> -> memref<!tpu.dma_semaphore, #tpu.memory_space<semaphore_mem>>
    %dma_start3A_81 = arith.constant 0 : i32
    %dma_start3A_82 = tpu.memref_slice %arg12[%dma_start3A_73, %dma_start3A_81] : memref<2x2048xi32, #tpu.memory_space<vmem>> -> memref<1x2048xi32, #tpu.memory_space<vmem>>
    %dma_start3A_83 = tpu.memref_squeeze %dma_start3A_82 : memref<1x2048xi32, #tpu.memory_space<vmem>> -> memref<2048xi32, #tpu.memory_space<vmem>>
    %dma_start3A_84 = tpu.memref_slice %arg5[%add3A_72] : memref<65536xi32, #tpu.memory_space<hbm>> -> memref<2048xi32, #tpu.memory_space<hbm>>
    tpu.enqueue_dma source(%dma_start3A_84 : memref<2048xi32, #tpu.memory_space<hbm>>) target(%dma_start3A_83 : memref<2048xi32, #tpu.memory_space<vmem>>) target_semaphore(%dma_start3A_80 : memref<!tpu.dma_semaphore, #tpu.memory_space<semaphore_mem>>)
    %add3A_85 = arith.constant 2048 : i32
    %add3A_86 = arith.addi %mul3A_0, %add3A_85 : i32
    %dma_start3A_87 = arith.constant 1 : i32
    %dma_start3A_88 = arith.constant 1 : i32
    %dma_start3A_89 = arith.constant 0 : i32
    %dma_start3A_90 = tpu.memref_slice %arg9[%dma_start3A_87, %dma_start3A_89] : memref<2x2048xi32, #tpu.memory_space<vmem>> -> memref<1x2048xi32, #tpu.memory_space<vmem>>
    %dma_start3A_91 = tpu.memref_squeeze %dma_start3A_90 : memref<1x2048xi32, #tpu.memory_space<vmem>> -> memref<2048xi32, #tpu.memory_space<vmem>>
    %dma_start3A_92 = tpu.memref_slice %arg4[%add3A_86] : memref<65536xi32, #tpu.memory_space<hbm>> -> memref<2048xi32, #tpu.memory_space<hbm>>
    %dma_start3A_93 = tpu.memref_slice %arg14[%dma_start3A_88] : memref<2x!tpu.dma_semaphore, #tpu.memory_space<semaphore_mem>> -> memref<1x!tpu.dma_semaphore, #tpu.memory_space<semaphore_mem>>
    %dma_start3A_94 = tpu.memref_squeeze %dma_start3A_93 : memref<1x!tpu.dma_semaphore, #tpu.memory_space<semaphore_mem>> -> memref<!tpu.dma_semaphore, #tpu.memory_space<semaphore_mem>>
    %dma_start3A_95 = arith.constant 0 : i32
    %dma_start3A_96 = tpu.memref_slice %arg9[%dma_start3A_87, %dma_start3A_95] : memref<2x2048xi32, #tpu.memory_space<vmem>> -> memref<1x2048xi32, #tpu.memory_space<vmem>>
    %dma_start3A_97 = tpu.memref_squeeze %dma_start3A_96 : memref<1x2048xi32, #tpu.memory_space<vmem>> -> memref<2048xi32, #tpu.memory_space<vmem>>
    %dma_start3A_98 = tpu.memref_slice %arg4[%add3A_86] : memref<65536xi32, #tpu.memory_space<hbm>> -> memref<2048xi32, #tpu.memory_space<hbm>>
    tpu.enqueue_dma source(%dma_start3A_98 : memref<2048xi32, #tpu.memory_space<hbm>>) target(%dma_start3A_97 : memref<2048xi32, #tpu.memory_space<vmem>>) target_semaphore(%dma_start3A_94 : memref<!tpu.dma_semaphore, #tpu.memory_space<semaphore_mem>>)
    %add3A_99 = arith.constant 32768 : i32
    %add3A_100 = arith.addi %add3A_99, %add3A_86 : i32
    %dma_start3A_101 = arith.constant 1 : i32
    %dma_start3A_102 = arith.constant 1 : i32
    %dma_start3A_103 = arith.constant 0 : i32
    %dma_start3A_104 = tpu.memref_slice %arg10[%dma_start3A_101, %dma_start3A_103] : memref<2x2048xi32, #tpu.memory_space<vmem>> -> memref<1x2048xi32, #tpu.memory_space<vmem>>
    %dma_start3A_105 = tpu.memref_squeeze %dma_start3A_104 : memref<1x2048xi32, #tpu.memory_space<vmem>> -> memref<2048xi32, #tpu.memory_space<vmem>>
    %dma_start3A_106 = tpu.memref_slice %arg4[%add3A_100] : memref<65536xi32, #tpu.memory_space<hbm>> -> memref<2048xi32, #tpu.memory_space<hbm>>
    %dma_start3A_107 = tpu.memref_slice %arg14[%dma_start3A_102] : memref<2x!tpu.dma_semaphore, #tpu.memory_space<semaphore_mem>> -> memref<1x!tpu.dma_semaphore, #tpu.memory_space<semaphore_mem>>
    %dma_start3A_108 = tpu.memref_squeeze %dma_start3A_107 : memref<1x!tpu.dma_semaphore, #tpu.memory_space<semaphore_mem>> -> memref<!tpu.dma_semaphore, #tpu.memory_space<semaphore_mem>>
    %dma_start3A_109 = arith.constant 0 : i32
    %dma_start3A_110 = tpu.memref_slice %arg10[%dma_start3A_101, %dma_start3A_109] : memref<2x2048xi32, #tpu.memory_space<vmem>> -> memref<1x2048xi32, #tpu.memory_space<vmem>>
    %dma_start3A_111 = tpu.memref_squeeze %dma_start3A_110 : memref<1x2048xi32, #tpu.memory_space<vmem>> -> memref<2048xi32, #tpu.memory_space<vmem>>
    %dma_start3A_112 = tpu.memref_slice %arg4[%add3A_100] : memref<65536xi32, #tpu.memory_space<hbm>> -> memref<2048xi32, #tpu.memory_space<hbm>>
    tpu.enqueue_dma source(%dma_start3A_112 : memref<2048xi32, #tpu.memory_space<hbm>>) target(%dma_start3A_111 : memref<2048xi32, #tpu.memory_space<vmem>>) target_semaphore(%dma_start3A_108 : memref<!tpu.dma_semaphore, #tpu.memory_space<semaphore_mem>>)
    %dma_start3A_113 = arith.constant 1 : i32
    %dma_start3A_114 = arith.constant 1 : i32
    %dma_start3A_115 = arith.constant 0 : i32
    %dma_start3A_116 = tpu.memref_slice %arg11[%dma_start3A_113, %dma_start3A_115] : memref<2x2048xi32, #tpu.memory_space<vmem>> -> memref<1x2048xi32, #tpu.memory_space<vmem>>
    %dma_start3A_117 = tpu.memref_squeeze %dma_start3A_116 : memref<1x2048xi32, #tpu.memory_space<vmem>> -> memref<2048xi32, #tpu.memory_space<vmem>>
    %dma_start3A_118 = tpu.memref_slice %arg5[%add3A_86] : memref<65536xi32, #tpu.memory_space<hbm>> -> memref<2048xi32, #tpu.memory_space<hbm>>
    %dma_start3A_119 = tpu.memref_slice %arg14[%dma_start3A_114] : memref<2x!tpu.dma_semaphore, #tpu.memory_space<semaphore_mem>> -> memref<1x!tpu.dma_semaphore, #tpu.memory_space<semaphore_mem>>
    %dma_start3A_120 = tpu.memref_squeeze %dma_start3A_119 : memref<1x!tpu.dma_semaphore, #tpu.memory_space<semaphore_mem>> -> memref<!tpu.dma_semaphore, #tpu.memory_space<semaphore_mem>>
    %dma_start3A_121 = arith.constant 0 : i32
    %dma_start3A_122 = tpu.memref_slice %arg11[%dma_start3A_113, %dma_start3A_121] : memref<2x2048xi32, #tpu.memory_space<vmem>> -> memref<1x2048xi32, #tpu.memory_space<vmem>>
    %dma_start3A_123 = tpu.memref_squeeze %dma_start3A_122 : memref<1x2048xi32, #tpu.memory_space<vmem>> -> memref<2048xi32, #tpu.memory_space<vmem>>
    %dma_start3A_124 = tpu.memref_slice %arg5[%add3A_86] : memref<65536xi32, #tpu.memory_space<hbm>> -> memref<2048xi32, #tpu.memory_space<hbm>>
    tpu.enqueue_dma source(%dma_start3A_124 : memref<2048xi32, #tpu.memory_space<hbm>>) target(%dma_start3A_123 : memref<2048xi32, #tpu.memory_space<vmem>>) target_semaphore(%dma_start3A_120 : memref<!tpu.dma_semaphore, #tpu.memory_space<semaphore_mem>>)
    %add3A_125 = arith.constant 32768 : i32
    %add3A_126 = arith.addi %add3A_125, %add3A_86 : i32
    %dma_start3A_127 = arith.constant 1 : i32
    %dma_start3A_128 = arith.constant 1 : i32
    %dma_start3A_129 = arith.constant 0 : i32
    %dma_start3A_130 = tpu.memref_slice %arg12[%dma_start3A_127, %dma_start3A_129] : memref<2x2048xi32, #tpu.memory_space<vmem>> -> memref<1x2048xi32, #tpu.memory_space<vmem>>
    %dma_start3A_131 = tpu.memref_squeeze %dma_start3A_130 : memref<1x2048xi32, #tpu.memory_space<vmem>> -> memref<2048xi32, #tpu.memory_space<vmem>>
    %dma_start3A_132 = tpu.memref_slice %arg5[%add3A_126] : memref<65536xi32, #tpu.memory_space<hbm>> -> memref<2048xi32, #tpu.memory_space<hbm>>
    %dma_start3A_133 = tpu.memref_slice %arg14[%dma_start3A_128] : memref<2x!tpu.dma_semaphore, #tpu.memory_space<semaphore_mem>> -> memref<1x!tpu.dma_semaphore, #tpu.memory_space<semaphore_mem>>
    %dma_start3A_134 = tpu.memref_squeeze %dma_start3A_133 : memref<1x!tpu.dma_semaphore, #tpu.memory_space<semaphore_mem>> -> memref<!tpu.dma_semaphore, #tpu.memory_space<semaphore_mem>>
    %dma_start3A_135 = arith.constant 0 : i32
    %dma_start3A_136 = tpu.memref_slice %arg12[%dma_start3A_127, %dma_start3A_135] : memref<2x2048xi32, #tpu.memory_space<vmem>> -> memref<1x2048xi32, #tpu.memory_space<vmem>>
    %dma_start3A_137 = tpu.memref_squeeze %dma_start3A_136 : memref<1x2048xi32, #tpu.memory_space<vmem>> -> memref<2048xi32, #tpu.memory_space<vmem>>
    %dma_start3A_138 = tpu.memref_slice %arg5[%add3A_126] : memref<65536xi32, #tpu.memory_space<hbm>> -> memref<2048xi32, #tpu.memory_space<hbm>>
    tpu.enqueue_dma source(%dma_start3A_138 : memref<2048xi32, #tpu.memory_space<hbm>>) target(%dma_start3A_137 : memref<2048xi32, #tpu.memory_space<vmem>>) target_semaphore(%dma_start3A_134 : memref<!tpu.dma_semaphore, #tpu.memory_space<semaphore_mem>>)
    %scan3A = arith.constant 0 : i32
    %scan3A_139 = arith.constant 0 : i32
    %scan3A_140 = arith.constant 8 : i32
    %scan3A_141 = arith.addi %scan3A_139, %scan3A_140 : i32
    %scan3A_142 = arith.constant 1 : i32
    %scan3A_143 = scf.for %scan3A_297 = %scan3A_139 to %scan3A_141 step %scan3A_142 iter_args(%scan3A_298 = %scan3A) -> (i32)  : i32 {
      %rem3A = arith.constant 2 : i32
      %rem3A_299 = arith.remsi %scan3A_297, %rem3A : i32
      %dma_wait3A_300 = arith.constant 0 : i32
      %dma_wait3A_301 = tpu.memref_slice %arg9[%rem3A_299, %dma_wait3A_300] : memref<2x2048xi32, #tpu.memory_space<vmem>> -> memref<1x2048xi32, #tpu.memory_space<vmem>>
      %dma_wait3A_302 = tpu.memref_squeeze %dma_wait3A_301 : memref<1x2048xi32, #tpu.memory_space<vmem>> -> memref<2048xi32, #tpu.memory_space<vmem>>
      %dma_wait3A_303 = arith.constant 0 : i32
      %dma_wait3A_304 = tpu.memref_slice %arg4[%dma_wait3A_303] : memref<65536xi32, #tpu.memory_space<hbm>> -> memref<2048xi32, #tpu.memory_space<hbm>>
      %dma_wait3A_305 = tpu.memref_slice %arg14[%rem3A_299] : memref<2x!tpu.dma_semaphore, #tpu.memory_space<semaphore_mem>> -> memref<1x!tpu.dma_semaphore, #tpu.memory_space<semaphore_mem>>
      %dma_wait3A_306 = tpu.memref_squeeze %dma_wait3A_305 : memref<1x!tpu.dma_semaphore, #tpu.memory_space<semaphore_mem>> -> memref<!tpu.dma_semaphore, #tpu.memory_space<semaphore_mem>>
      %dma_wait3A_307 = arith.constant 0 : i32
      %dma_wait3A_308 = tpu.memref_slice %arg9[%rem3A_299, %dma_wait3A_307] : memref<2x2048xi32, #tpu.memory_space<vmem>> -> memref<1x2048xi32, #tpu.memory_space<vmem>>
      %dma_wait3A_309 = tpu.memref_squeeze %dma_wait3A_308 : memref<1x2048xi32, #tpu.memory_space<vmem>> -> memref<2048xi32, #tpu.memory_space<vmem>>
      %dma_wait3A_310 = arith.constant 0 : i32
      %dma_wait3A_311 = tpu.memref_slice %arg4[%dma_wait3A_310] : memref<65536xi32, #tpu.memory_space<hbm>> -> memref<2048xi32, #tpu.memory_space<hbm>>
      tpu.wait_dma2 semaphore(%dma_wait3A_306 : memref<!tpu.dma_semaphore, #tpu.memory_space<semaphore_mem>>) src(%dma_wait3A_311 : memref<2048xi32, #tpu.memory_space<hbm>>) dst(%dma_wait3A_309 : memref<2048xi32, #tpu.memory_space<vmem>>)
      %dma_wait3A_312 = arith.constant 0 : i32
      %dma_wait3A_313 = tpu.memref_slice %arg10[%rem3A_299, %dma_wait3A_312] : memref<2x2048xi32, #tpu.memory_space<vmem>> -> memref<1x2048xi32, #tpu.memory_space<vmem>>
      %dma_wait3A_314 = tpu.memref_squeeze %dma_wait3A_313 : memref<1x2048xi32, #tpu.memory_space<vmem>> -> memref<2048xi32, #tpu.memory_space<vmem>>
      %dma_wait3A_315 = arith.constant 0 : i32
      %dma_wait3A_316 = tpu.memref_slice %arg4[%dma_wait3A_315] : memref<65536xi32, #tpu.memory_space<hbm>> -> memref<2048xi32, #tpu.memory_space<hbm>>
      %dma_wait3A_317 = tpu.memref_slice %arg14[%rem3A_299] : memref<2x!tpu.dma_semaphore, #tpu.memory_space<semaphore_mem>> -> memref<1x!tpu.dma_semaphore, #tpu.memory_space<semaphore_mem>>
      %dma_wait3A_318 = tpu.memref_squeeze %dma_wait3A_317 : memref<1x!tpu.dma_semaphore, #tpu.memory_space<semaphore_mem>> -> memref<!tpu.dma_semaphore, #tpu.memory_space<semaphore_mem>>
      %dma_wait3A_319 = arith.constant 0 : i32
      %dma_wait3A_320 = tpu.memref_slice %arg10[%rem3A_299, %dma_wait3A_319] : memref<2x2048xi32, #tpu.memory_space<vmem>> -> memref<1x2048xi32, #tpu.memory_space<vmem>>
      %dma_wait3A_321 = tpu.memref_squeeze %dma_wait3A_320 : memref<1x2048xi32, #tpu.memory_space<vmem>> -> memref<2048xi32, #tpu.memory_space<vmem>>
      %dma_wait3A_322 = arith.constant 0 : i32
      %dma_wait3A_323 = tpu.memref_slice %arg4[%dma_wait3A_322] : memref<65536xi32, #tpu.memory_space<hbm>> -> memref<2048xi32, #tpu.memory_space<hbm>>
      tpu.wait_dma2 semaphore(%dma_wait3A_318 : memref<!tpu.dma_semaphore, #tpu.memory_space<semaphore_mem>>) src(%dma_wait3A_323 : memref<2048xi32, #tpu.memory_space<hbm>>) dst(%dma_wait3A_321 : memref<2048xi32, #tpu.memory_space<vmem>>)
      %dma_wait3A_324 = arith.constant 0 : i32
      %dma_wait3A_325 = tpu.memref_slice %arg11[%rem3A_299, %dma_wait3A_324] : memref<2x2048xi32, #tpu.memory_space<vmem>> -> memref<1x2048xi32, #tpu.memory_space<vmem>>
      %dma_wait3A_326 = tpu.memref_squeeze %dma_wait3A_325 : memref<1x2048xi32, #tpu.memory_space<vmem>> -> memref<2048xi32, #tpu.memory_space<vmem>>
      %dma_wait3A_327 = arith.constant 0 : i32
      %dma_wait3A_328 = tpu.memref_slice %arg4[%dma_wait3A_327] : memref<65536xi32, #tpu.memory_space<hbm>> -> memref<2048xi32, #tpu.memory_space<hbm>>
      %dma_wait3A_329 = tpu.memref_slice %arg14[%rem3A_299] : memref<2x!tpu.dma_semaphore, #tpu.memory_space<semaphore_mem>> -> memref<1x!tpu.dma_semaphore, #tpu.memory_space<semaphore_mem>>
      %dma_wait3A_330 = tpu.memref_squeeze %dma_wait3A_329 : memref<1x!tpu.dma_semaphore, #tpu.memory_space<semaphore_mem>> -> memref<!tpu.dma_semaphore, #tpu.memory_space<semaphore_mem>>
      %dma_wait3A_331 = arith.constant 0 : i32
      %dma_wait3A_332 = tpu.memref_slice %arg11[%rem3A_299, %dma_wait3A_331] : memref<2x2048xi32, #tpu.memory_space<vmem>> -> memref<1x2048xi32, #tpu.memory_space<vmem>>
      %dma_wait3A_333 = tpu.memref_squeeze %dma_wait3A_332 : memref<1x2048xi32, #tpu.memory_space<vmem>> -> memref<2048xi32, #tpu.memory_space<vmem>>
      %dma_wait3A_334 = arith.constant 0 : i32
      %dma_wait3A_335 = tpu.memref_slice %arg4[%dma_wait3A_334] : memref<65536xi32, #tpu.memory_space<hbm>> -> memref<2048xi32, #tpu.memory_space<hbm>>
      tpu.wait_dma2 semaphore(%dma_wait3A_330 : memref<!tpu.dma_semaphore, #tpu.memory_space<semaphore_mem>>) src(%dma_wait3A_335 : memref<2048xi32, #tpu.memory_space<hbm>>) dst(%dma_wait3A_333 : memref<2048xi32, #tpu.memory_space<vmem>>)
      %dma_wait3A_336 = arith.constant 0 : i32
      %dma_wait3A_337 = tpu.memref_slice %arg12[%rem3A_299, %dma_wait3A_336] : memref<2x2048xi32, #tpu.memory_space<vmem>> -> memref<1x2048xi32, #tpu.memory_space<vmem>>
      %dma_wait3A_338 = tpu.memref_squeeze %dma_wait3A_337 : memref<1x2048xi32, #tpu.memory_space<vmem>> -> memref<2048xi32, #tpu.memory_space<vmem>>
      %dma_wait3A_339 = arith.constant 0 : i32
      %dma_wait3A_340 = tpu.memref_slice %arg4[%dma_wait3A_339] : memref<65536xi32, #tpu.memory_space<hbm>> -> memref<2048xi32, #tpu.memory_space<hbm>>
      %dma_wait3A_341 = tpu.memref_slice %arg14[%rem3A_299] : memref<2x!tpu.dma_semaphore, #tpu.memory_space<semaphore_mem>> -> memref<1x!tpu.dma_semaphore, #tpu.memory_space<semaphore_mem>>
      %dma_wait3A_342 = tpu.memref_squeeze %dma_wait3A_341 : memref<1x!tpu.dma_semaphore, #tpu.memory_space<semaphore_mem>> -> memref<!tpu.dma_semaphore, #tpu.memory_space<semaphore_mem>>
      %dma_wait3A_343 = arith.constant 0 : i32
      %dma_wait3A_344 = tpu.memref_slice %arg12[%rem3A_299, %dma_wait3A_343] : memref<2x2048xi32, #tpu.memory_space<vmem>> -> memref<1x2048xi32, #tpu.memory_space<vmem>>
      %dma_wait3A_345 = tpu.memref_squeeze %dma_wait3A_344 : memref<1x2048xi32, #tpu.memory_space<vmem>> -> memref<2048xi32, #tpu.memory_space<vmem>>
      %dma_wait3A_346 = arith.constant 0 : i32
      %dma_wait3A_347 = tpu.memref_slice %arg4[%dma_wait3A_346] : memref<65536xi32, #tpu.memory_space<hbm>> -> memref<2048xi32, #tpu.memory_space<hbm>>
      tpu.wait_dma2 semaphore(%dma_wait3A_342 : memref<!tpu.dma_semaphore, #tpu.memory_space<semaphore_mem>>) src(%dma_wait3A_347 : memref<2048xi32, #tpu.memory_space<hbm>>) dst(%dma_wait3A_345 : memref<2048xi32, #tpu.memory_space<vmem>>)
      %ge3A = arith.constant 2 : i32
      %ge3A_348 = arith.cmpi sge, %scan3A_297, %ge3A : i32
      %convert_element_type3A = arith.extui %ge3A_348 : i1 to i32
      %cond3A = arith.constant 0 : i32
      %cond3A_349 = arith.cmpi ne, %convert_element_type3A, %cond3A : i32
      scf.if %cond3A_349 {
        %dma_wait3A_420 = arith.constant 0 : i32
        %dma_wait3A_421 = arith.constant 0 : i32
        %dma_wait3A_422 = arith.constant 0 : i32
        %dma_wait3A_423 = arith.constant 0 : i32
        %dma_wait3A_424 = tpu.memref_slice %arg13[%rem3A_299, %dma_wait3A_422, %dma_wait3A_423] : memref<2x4x2048xf32, #tpu.memory_space<vmem>> -> memref<1x1x2048xf32, #tpu.memory_space<vmem>>
        %dma_wait3A_425 = tpu.memref_squeeze %dma_wait3A_424 : memref<1x1x2048xf32, #tpu.memory_space<vmem>> -> memref<2048xf32, #tpu.memory_space<vmem>>
        %dma_wait3A_426 = arith.constant 0 : i32
        %dma_wait3A_427 = tpu.memref_slice %arg6[%dma_wait3A_420, %dma_wait3A_421, %dma_wait3A_426] : memref<4x16x32768xf32, #tpu.memory_space<hbm>> -> memref<1x1x2048xf32, #tpu.memory_space<hbm>>
        %dma_wait3A_428 = tpu.memref_squeeze %dma_wait3A_427 : memref<1x1x2048xf32, #tpu.memory_space<hbm>> -> memref<2048xf32, #tpu.memory_space<hbm>>
        %dma_wait3A_429 = tpu.memref_slice %arg15[%rem3A_299] : memref<2x!tpu.dma_semaphore, #tpu.memory_space<semaphore_mem>> -> memref<1x!tpu.dma_semaphore, #tpu.memory_space<semaphore_mem>>
        %dma_wait3A_430 = tpu.memref_squeeze %dma_wait3A_429 : memref<1x!tpu.dma_semaphore, #tpu.memory_space<semaphore_mem>> -> memref<!tpu.dma_semaphore, #tpu.memory_space<semaphore_mem>>
        %dma_wait3A_431 = arith.constant 0 : i32
        %dma_wait3A_432 = tpu.memref_slice %arg13[%rem3A_299, %dma_wait3A_422, %dma_wait3A_431] : memref<2x4x2048xf32, #tpu.memory_space<vmem>> -> memref<1x1x2048xf32, #tpu.memory_space<vmem>>
        %dma_wait3A_433 = tpu.memref_squeeze %dma_wait3A_432 : memref<1x1x2048xf32, #tpu.memory_space<vmem>> -> memref<2048xf32, #tpu.memory_space<vmem>>
        %dma_wait3A_434 = arith.constant 0 : i32
        %dma_wait3A_435 = tpu.memref_slice %arg6[%dma_wait3A_420, %dma_wait3A_421, %dma_wait3A_434] : memref<4x16x32768xf32, #tpu.memory_space<hbm>> -> memref<1x1x2048xf32, #tpu.memory_space<hbm>>
        %dma_wait3A_436 = tpu.memref_squeeze %dma_wait3A_435 : memref<1x1x2048xf32, #tpu.memory_space<hbm>> -> memref<2048xf32, #tpu.memory_space<hbm>>
        tpu.wait_dma2 semaphore(%dma_wait3A_430 : memref<!tpu.dma_semaphore, #tpu.memory_space<semaphore_mem>>) src(%dma_wait3A_436 : memref<2048xf32, #tpu.memory_space<hbm>>) dst(%dma_wait3A_433 : memref<2048xf32, #tpu.memory_space<vmem>>)
        %dma_wait3A_437 = arith.constant 0 : i32
        %dma_wait3A_438 = arith.constant 0 : i32
        %dma_wait3A_439 = arith.constant 1 : i32
        %dma_wait3A_440 = arith.constant 0 : i32
        %dma_wait3A_441 = tpu.memref_slice %arg13[%rem3A_299, %dma_wait3A_439, %dma_wait3A_440] : memref<2x4x2048xf32, #tpu.memory_space<vmem>> -> memref<1x1x2048xf32, #tpu.memory_space<vmem>>
        %dma_wait3A_442 = tpu.memref_squeeze %dma_wait3A_441 : memref<1x1x2048xf32, #tpu.memory_space<vmem>> -> memref<2048xf32, #tpu.memory_space<vmem>>
        %dma_wait3A_443 = arith.constant 0 : i32
        %dma_wait3A_444 = tpu.memref_slice %arg6[%dma_wait3A_437, %dma_wait3A_438, %dma_wait3A_443] : memref<4x16x32768xf32, #tpu.memory_space<hbm>> -> memref<1x1x2048xf32, #tpu.memory_space<hbm>>
        %dma_wait3A_445 = tpu.memref_squeeze %dma_wait3A_444 : memref<1x1x2048xf32, #tpu.memory_space<hbm>> -> memref<2048xf32, #tpu.memory_space<hbm>>
        %dma_wait3A_446 = tpu.memref_slice %arg15[%rem3A_299] : memref<2x!tpu.dma_semaphore, #tpu.memory_space<semaphore_mem>> -> memref<1x!tpu.dma_semaphore, #tpu.memory_space<semaphore_mem>>
        %dma_wait3A_447 = tpu.memref_squeeze %dma_wait3A_446 : memref<1x!tpu.dma_semaphore, #tpu.memory_space<semaphore_mem>> -> memref<!tpu.dma_semaphore, #tpu.memory_space<semaphore_mem>>
        %dma_wait3A_448 = arith.constant 0 : i32
        %dma_wait3A_449 = tpu.memref_slice %arg13[%rem3A_299, %dma_wait3A_439, %dma_wait3A_448] : memref<2x4x2048xf32, #tpu.memory_space<vmem>> -> memref<1x1x2048xf32, #tpu.memory_space<vmem>>
        %dma_wait3A_450 = tpu.memref_squeeze %dma_wait3A_449 : memref<1x1x2048xf32, #tpu.memory_space<vmem>> -> memref<2048xf32, #tpu.memory_space<vmem>>
        %dma_wait3A_451 = arith.constant 0 : i32
        %dma_wait3A_452 = tpu.memref_slice %arg6[%dma_wait3A_437, %dma_wait3A_438, %dma_wait3A_451] : memref<4x16x32768xf32, #tpu.memory_space<hbm>> -> memref<1x1x2048xf32, #tpu.memory_space<hbm>>
        %dma_wait3A_453 = tpu.memref_squeeze %dma_wait3A_452 : memref<1x1x2048xf32, #tpu.memory_space<hbm>> -> memref<2048xf32, #tpu.memory_space<hbm>>
        tpu.wait_dma2 semaphore(%dma_wait3A_447 : memref<!tpu.dma_semaphore, #tpu.memory_space<semaphore_mem>>) src(%dma_wait3A_453 : memref<2048xf32, #tpu.memory_space<hbm>>) dst(%dma_wait3A_450 : memref<2048xf32, #tpu.memory_space<vmem>>)
        %dma_wait3A_454 = arith.constant 0 : i32
        %dma_wait3A_455 = arith.constant 0 : i32
        %dma_wait3A_456 = arith.constant 2 : i32
        %dma_wait3A_457 = arith.constant 0 : i32
        %dma_wait3A_458 = tpu.memref_slice %arg13[%rem3A_299, %dma_wait3A_456, %dma_wait3A_457] : memref<2x4x2048xf32, #tpu.memory_space<vmem>> -> memref<1x1x2048xf32, #tpu.memory_space<vmem>>
        %dma_wait3A_459 = tpu.memref_squeeze %dma_wait3A_458 : memref<1x1x2048xf32, #tpu.memory_space<vmem>> -> memref<2048xf32, #tpu.memory_space<vmem>>
        %dma_wait3A_460 = arith.constant 0 : i32
        %dma_wait3A_461 = tpu.memref_slice %arg6[%dma_wait3A_454, %dma_wait3A_455, %dma_wait3A_460] : memref<4x16x32768xf32, #tpu.memory_space<hbm>> -> memref<1x1x2048xf32, #tpu.memory_space<hbm>>
        %dma_wait3A_462 = tpu.memref_squeeze %dma_wait3A_461 : memref<1x1x2048xf32, #tpu.memory_space<hbm>> -> memref<2048xf32, #tpu.memory_space<hbm>>
        %dma_wait3A_463 = tpu.memref_slice %arg15[%rem3A_299] : memref<2x!tpu.dma_semaphore, #tpu.memory_space<semaphore_mem>> -> memref<1x!tpu.dma_semaphore, #tpu.memory_space<semaphore_mem>>
        %dma_wait3A_464 = tpu.memref_squeeze %dma_wait3A_463 : memref<1x!tpu.dma_semaphore, #tpu.memory_space<semaphore_mem>> -> memref<!tpu.dma_semaphore, #tpu.memory_space<semaphore_mem>>
        %dma_wait3A_465 = arith.constant 0 : i32
        %dma_wait3A_466 = tpu.memref_slice %arg13[%rem3A_299, %dma_wait3A_456, %dma_wait3A_465] : memref<2x4x2048xf32, #tpu.memory_space<vmem>> -> memref<1x1x2048xf32, #tpu.memory_space<vmem>>
        %dma_wait3A_467 = tpu.memref_squeeze %dma_wait3A_466 : memref<1x1x2048xf32, #tpu.memory_space<vmem>> -> memref<2048xf32, #tpu.memory_space<vmem>>
        %dma_wait3A_468 = arith.constant 0 : i32
        %dma_wait3A_469 = tpu.memref_slice %arg6[%dma_wait3A_454, %dma_wait3A_455, %dma_wait3A_468] : memref<4x16x32768xf32, #tpu.memory_space<hbm>> -> memref<1x1x2048xf32, #tpu.memory_space<hbm>>
        %dma_wait3A_470 = tpu.memref_squeeze %dma_wait3A_469 : memref<1x1x2048xf32, #tpu.memory_space<hbm>> -> memref<2048xf32, #tpu.memory_space<hbm>>
        tpu.wait_dma2 semaphore(%dma_wait3A_464 : memref<!tpu.dma_semaphore, #tpu.memory_space<semaphore_mem>>) src(%dma_wait3A_470 : memref<2048xf32, #tpu.memory_space<hbm>>) dst(%dma_wait3A_467 : memref<2048xf32, #tpu.memory_space<vmem>>)
        %dma_wait3A_471 = arith.constant 0 : i32
        %dma_wait3A_472 = arith.constant 0 : i32
        %dma_wait3A_473 = arith.constant 3 : i32
        %dma_wait3A_474 = arith.constant 0 : i32
        %dma_wait3A_475 = tpu.memref_slice %arg13[%rem3A_299, %dma_wait3A_473, %dma_wait3A_474] : memref<2x4x2048xf32, #tpu.memory_space<vmem>> -> memref<1x1x2048xf32, #tpu.memory_space<vmem>>
        %dma_wait3A_476 = tpu.memref_squeeze %dma_wait3A_475 : memref<1x1x2048xf32, #tpu.memory_space<vmem>> -> memref<2048xf32, #tpu.memory_space<vmem>>
        %dma_wait3A_477 = arith.constant 0 : i32
        %dma_wait3A_478 = tpu.memref_slice %arg6[%dma_wait3A_471, %dma_wait3A_472, %dma_wait3A_477] : memref<4x16x32768xf32, #tpu.memory_space<hbm>> -> memref<1x1x2048xf32, #tpu.memory_space<hbm>>
        %dma_wait3A_479 = tpu.memref_squeeze %dma_wait3A_478 : memref<1x1x2048xf32, #tpu.memory_space<hbm>> -> memref<2048xf32, #tpu.memory_space<hbm>>
        %dma_wait3A_480 = tpu.memref_slice %arg15[%rem3A_299] : memref<2x!tpu.dma_semaphore, #tpu.memory_space<semaphore_mem>> -> memref<1x!tpu.dma_semaphore, #tpu.memory_space<semaphore_mem>>
        %dma_wait3A_481 = tpu.memref_squeeze %dma_wait3A_480 : memref<1x!tpu.dma_semaphore, #tpu.memory_space<semaphore_mem>> -> memref<!tpu.dma_semaphore, #tpu.memory_space<semaphore_mem>>
        %dma_wait3A_482 = arith.constant 0 : i32
        %dma_wait3A_483 = tpu.memref_slice %arg13[%rem3A_299, %dma_wait3A_473, %dma_wait3A_482] : memref<2x4x2048xf32, #tpu.memory_space<vmem>> -> memref<1x1x2048xf32, #tpu.memory_space<vmem>>
        %dma_wait3A_484 = tpu.memref_squeeze %dma_wait3A_483 : memref<1x1x2048xf32, #tpu.memory_space<vmem>> -> memref<2048xf32, #tpu.memory_space<vmem>>
        %dma_wait3A_485 = arith.constant 0 : i32
        %dma_wait3A_486 = tpu.memref_slice %arg6[%dma_wait3A_471, %dma_wait3A_472, %dma_wait3A_485] : memref<4x16x32768xf32, #tpu.memory_space<hbm>> -> memref<1x1x2048xf32, #tpu.memory_space<hbm>>
        %dma_wait3A_487 = tpu.memref_squeeze %dma_wait3A_486 : memref<1x1x2048xf32, #tpu.memory_space<hbm>> -> memref<2048xf32, #tpu.memory_space<hbm>>
        tpu.wait_dma2 semaphore(%dma_wait3A_481 : memref<!tpu.dma_semaphore, #tpu.memory_space<semaphore_mem>>) src(%dma_wait3A_487 : memref<2048xf32, #tpu.memory_space<hbm>>) dst(%dma_wait3A_484 : memref<2048xf32, #tpu.memory_space<vmem>>)
      } else {
      }
      %parallel_loop3A = arith.constant 0 : i32
      %parallel_loop3A_350 = arith.constant 128 : i32
      %parallel_loop3A_351 = arith.constant 1 : i32
      %parallel_loop3A_352 = arith.constant 0 : i32
      %parallel_loop3A_353 = arith.constant 1 : i32
      %parallel_loop3A_354 = arith.constant 2 : i32
      %parallel_loop3A_355 = arith.constant 3 : i32
      scf.for %parallel_loop3A_420 = %parallel_loop3A to %parallel_loop3A_350 step %parallel_loop3A_351  : i32 {
        %parallel_loop3A_421 = arith.constant 16 : i32
        %parallel_loop3A_422 = arith.muli %parallel_loop3A_420, %parallel_loop3A_421 : i32
        %parallel_loop3A_423 = arith.constant 0 : i32
        %parallel_loop3A_424 = tpu.memref_slice %arg9[%rem3A_299, %parallel_loop3A_423] : memref<2x2048xi32, #tpu.memory_space<vmem>> -> memref<1x2048xi32, #tpu.memory_space<vmem>>
        %parallel_loop3A_425 = tpu.memref_squeeze %parallel_loop3A_424 : memref<1x2048xi32, #tpu.memory_space<vmem>> -> memref<2048xi32, #tpu.memory_space<vmem>>
        %parallel_loop3A_426 = arith.index_cast %parallel_loop3A_422 : i32 to index
        %parallel_loop3A_427 = tpu.vector_load %parallel_loop3A_425[%parallel_loop3A_426] {strides = array<i32>} : memref<2048xi32, #tpu.memory_space<vmem>>, vector<16xi32>,
        %parallel_loop3A_428 = arith.constant 0 : i32
        %parallel_loop3A_429 = tpu.memref_slice %arg10[%rem3A_299, %parallel_loop3A_428] : memref<2x2048xi32, #tpu.memory_space<vmem>> -> memref<1x2048xi32, #tpu.memory_space<vmem>>
        %parallel_loop3A_430 = tpu.memref_squeeze %parallel_loop3A_429 : memref<1x2048xi32, #tpu.memory_space<vmem>> -> memref<2048xi32, #tpu.memory_space<vmem>>
        %parallel_loop3A_431 = arith.index_cast %parallel_loop3A_422 : i32 to index
        %parallel_loop3A_432 = tpu.vector_load %parallel_loop3A_430[%parallel_loop3A_431] {strides = array<i32>} : memref<2048xi32, #tpu.memory_space<vmem>>, vector<16xi32>,
        %parallel_loop3A_433 = arith.constant 0 : i32
        %parallel_loop3A_434 = tpu.memref_slice %arg11[%rem3A_299, %parallel_loop3A_433] : memref<2x2048xi32, #tpu.memory_space<vmem>> -> memref<1x2048xi32, #tpu.memory_space<vmem>>
        %parallel_loop3A_435 = tpu.memref_squeeze %parallel_loop3A_434 : memref<1x2048xi32, #tpu.memory_space<vmem>> -> memref<2048xi32, #tpu.memory_space<vmem>>
        %parallel_loop3A_436 = arith.index_cast %parallel_loop3A_422 : i32 to index
        %parallel_loop3A_437 = tpu.vector_load %parallel_loop3A_435[%parallel_loop3A_436] {strides = array<i32>} : memref<2048xi32, #tpu.memory_space<vmem>>, vector<16xi32>,
        %parallel_loop3A_438 = arith.constant 0 : i32
        %parallel_loop3A_439 = tpu.memref_slice %arg12[%rem3A_299, %parallel_loop3A_438] : memref<2x2048xi32, #tpu.memory_space<vmem>> -> memref<1x2048xi32, #tpu.memory_space<vmem>>
        %parallel_loop3A_440 = tpu.memref_squeeze %parallel_loop3A_439 : memref<1x2048xi32, #tpu.memory_space<vmem>> -> memref<2048xi32, #tpu.memory_space<vmem>>
        %parallel_loop3A_441 = arith.index_cast %parallel_loop3A_422 : i32 to index
        %parallel_loop3A_442 = tpu.vector_load %parallel_loop3A_440[%parallel_loop3A_441] {strides = array<i32>} : memref<2048xi32, #tpu.memory_space<vmem>>, vector<16xi32>,
        %parallel_loop3A_443 = arith.constant 0 : i32
        %parallel_loop3A_444 = arith.constant 0 : i32
        %parallel_loop3A_445 = tpu.memref_slice %arg7[%parallel_loop3A_443, %parallel_loop3A_444] : memref<8x4096xi32, #tpu.memory_space<vmem>> -> memref<1x4096xi32, #tpu.memory_space<vmem>>
        %parallel_loop3A_446 = tpu.memref_squeeze %parallel_loop3A_445 : memref<1x4096xi32, #tpu.memory_space<vmem>> -> memref<4096xi32, #tpu.memory_space<vmem>>
        %parallel_loop3A_447 = tpu.vector_load_idx %parallel_loop3A_446[%parallel_loop3A_427] : memref<4096xi32, #tpu.memory_space<vmem>>[vector<16xi32>], vector<16xi32>,
        %parallel_loop3A_448 = vector.bitcast %parallel_loop3A_447 : vector<16xi32> to vector<32xbf16>
        %parallel_loop3A_449 = arith.constant 0 : i32
        %parallel_loop3A_450 = arith.constant 0 : i32
        %parallel_loop3A_451 = tpu.memref_slice %arg7[%parallel_loop3A_449, %parallel_loop3A_450] : memref<8x4096xi32, #tpu.memory_space<vmem>> -> memref<1x4096xi32, #tpu.memory_space<vmem>>
        %parallel_loop3A_452 = tpu.memref_squeeze %parallel_loop3A_451 : memref<1x4096xi32, #tpu.memory_space<vmem>> -> memref<4096xi32, #tpu.memory_space<vmem>>
        %parallel_loop3A_453 = tpu.vector_load_idx %parallel_loop3A_452[%parallel_loop3A_432] : memref<4096xi32, #tpu.memory_space<vmem>>[vector<16xi32>], vector<16xi32>,
        %parallel_loop3A_454 = vector.bitcast %parallel_loop3A_453 : vector<16xi32> to vector<32xbf16>
        %parallel_loop3A_455 = arith.constant 0 : i32
        %parallel_loop3A_456 = arith.constant 0 : i32
        %parallel_loop3A_457 = tpu.memref_slice %arg8[%parallel_loop3A_455, %parallel_loop3A_456] : memref<8x4096xi32, #tpu.memory_space<vmem>> -> memref<1x4096xi32, #tpu.memory_space<vmem>>
        %parallel_loop3A_458 = tpu.memref_squeeze %parallel_loop3A_457 : memref<1x4096xi32, #tpu.memory_space<vmem>> -> memref<4096xi32, #tpu.memory_space<vmem>>
        %parallel_loop3A_459 = tpu.vector_load_idx %parallel_loop3A_458[%parallel_loop3A_437] : memref<4096xi32, #tpu.memory_space<vmem>>[vector<16xi32>], vector<16xi32>,
        %parallel_loop3A_460 = vector.bitcast %parallel_loop3A_459 : vector<16xi32> to vector<32xbf16>
        %parallel_loop3A_461 = arith.constant 0 : i32
        %parallel_loop3A_462 = arith.constant 0 : i32
        %parallel_loop3A_463 = tpu.memref_slice %arg8[%parallel_loop3A_461, %parallel_loop3A_462] : memref<8x4096xi32, #tpu.memory_space<vmem>> -> memref<1x4096xi32, #tpu.memory_space<vmem>>
        %parallel_loop3A_464 = tpu.memref_squeeze %parallel_loop3A_463 : memref<1x4096xi32, #tpu.memory_space<vmem>> -> memref<4096xi32, #tpu.memory_space<vmem>>
        %parallel_loop3A_465 = tpu.vector_load_idx %parallel_loop3A_464[%parallel_loop3A_442] : memref<4096xi32, #tpu.memory_space<vmem>>[vector<16xi32>], vector<16xi32>,
        %parallel_loop3A_466 = vector.bitcast %parallel_loop3A_465 : vector<16xi32> to vector<32xbf16>
        %parallel_loop3A_467 = arith.mulf %parallel_loop3A_448, %parallel_loop3A_454 : vector<32xbf16>
        %parallel_loop3A_468 = arith.addf %broadcast_in_dim3A_31, %parallel_loop3A_467 : vector<32xbf16>
        %parallel_loop3A_469 = arith.mulf %parallel_loop3A_460, %parallel_loop3A_466 : vector<32xbf16>
        %parallel_loop3A_470 = arith.addf %broadcast_in_dim3A_31, %parallel_loop3A_469 : vector<32xbf16>
        %parallel_loop3A_471 = arith.mulf %parallel_loop3A_448, %parallel_loop3A_466 : vector<32xbf16>
        %parallel_loop3A_472 = arith.addf %broadcast_in_dim3A_31, %parallel_loop3A_471 : vector<32xbf16>
        %parallel_loop3A_473 = arith.mulf %parallel_loop3A_460, %parallel_loop3A_454 : vector<32xbf16>
        %parallel_loop3A_474 = arith.addf %broadcast_in_dim3A_31, %parallel_loop3A_473 : vector<32xbf16>
        %parallel_loop3A_475 = arith.constant 1 : i32
        %parallel_loop3A_476 = arith.constant 0 : i32
        %parallel_loop3A_477 = tpu.memref_slice %arg7[%parallel_loop3A_475, %parallel_loop3A_476] : memref<8x4096xi32, #tpu.memory_space<vmem>> -> memref<1x4096xi32, #tpu.memory_space<vmem>>
        %parallel_loop3A_478 = tpu.memref_squeeze %parallel_loop3A_477 : memref<1x4096xi32, #tpu.memory_space<vmem>> -> memref<4096xi32, #tpu.memory_space<vmem>>
        %parallel_loop3A_479 = tpu.vector_load_idx %parallel_loop3A_478[%parallel_loop3A_427] : memref<4096xi32, #tpu.memory_space<vmem>>[vector<16xi32>], vector<16xi32>,
        %parallel_loop3A_480 = vector.bitcast %parallel_loop3A_479 : vector<16xi32> to vector<32xbf16>
        %parallel_loop3A_481 = arith.constant 1 : i32
        %parallel_loop3A_482 = arith.constant 0 : i32
        %parallel_loop3A_483 = tpu.memref_slice %arg7[%parallel_loop3A_481, %parallel_loop3A_482] : memref<8x4096xi32, #tpu.memory_space<vmem>> -> memref<1x4096xi32, #tpu.memory_space<vmem>>
        %parallel_loop3A_484 = tpu.memref_squeeze %parallel_loop3A_483 : memref<1x4096xi32, #tpu.memory_space<vmem>> -> memref<4096xi32, #tpu.memory_space<vmem>>
        %parallel_loop3A_485 = tpu.vector_load_idx %parallel_loop3A_484[%parallel_loop3A_432] : memref<4096xi32, #tpu.memory_space<vmem>>[vector<16xi32>], vector<16xi32>,
        %parallel_loop3A_486 = vector.bitcast %parallel_loop3A_485 : vector<16xi32> to vector<32xbf16>
        %parallel_loop3A_487 = arith.constant 1 : i32
        %parallel_loop3A_488 = arith.constant 0 : i32
        %parallel_loop3A_489 = tpu.memref_slice %arg8[%parallel_loop3A_487, %parallel_loop3A_488] : memref<8x4096xi32, #tpu.memory_space<vmem>> -> memref<1x4096xi32, #tpu.memory_space<vmem>>
        %parallel_loop3A_490 = tpu.memref_squeeze %parallel_loop3A_489 : memref<1x4096xi32, #tpu.memory_space<vmem>> -> memref<4096xi32, #tpu.memory_space<vmem>>
        %parallel_loop3A_491 = tpu.vector_load_idx %parallel_loop3A_490[%parallel_loop3A_437] : memref<4096xi32, #tpu.memory_space<vmem>>[vector<16xi32>], vector<16xi32>,
        %parallel_loop3A_492 = vector.bitcast %parallel_loop3A_491 : vector<16xi32> to vector<32xbf16>
        %parallel_loop3A_493 = arith.constant 1 : i32
        %parallel_loop3A_494 = arith.constant 0 : i32
        %parallel_loop3A_495 = tpu.memref_slice %arg8[%parallel_loop3A_493, %parallel_loop3A_494] : memref<8x4096xi32, #tpu.memory_space<vmem>> -> memref<1x4096xi32, #tpu.memory_space<vmem>>
        %parallel_loop3A_496 = tpu.memref_squeeze %parallel_loop3A_495 : memref<1x4096xi32, #tpu.memory_space<vmem>> -> memref<4096xi32, #tpu.memory_space<vmem>>
        %parallel_loop3A_497 = tpu.vector_load_idx %parallel_loop3A_496[%parallel_loop3A_442] : memref<4096xi32, #tpu.memory_space<vmem>>[vector<16xi32>], vector<16xi32>,
        %parallel_loop3A_498 = vector.bitcast %parallel_loop3A_497 : vector<16xi32> to vector<32xbf16>
        %parallel_loop3A_499 = arith.mulf %parallel_loop3A_480, %parallel_loop3A_486 : vector<32xbf16>
        %parallel_loop3A_500 = arith.addf %parallel_loop3A_468, %parallel_loop3A_499 : vector<32xbf16>
        %parallel_loop3A_501 = arith.mulf %parallel_loop3A_492, %parallel_loop3A_498 : vector<32xbf16>
        %parallel_loop3A_502 = arith.addf %parallel_loop3A_470, %parallel_loop3A_501 : vector<32xbf16>
        %parallel_loop3A_503 = arith.mulf %parallel_loop3A_480, %parallel_loop3A_498 : vector<32xbf16>
        %parallel_loop3A_504 = arith.addf %parallel_loop3A_472, %parallel_loop3A_503 : vector<32xbf16>
        %parallel_loop3A_505 = arith.mulf %parallel_loop3A_492, %parallel_loop3A_486 : vector<32xbf16>
        %parallel_loop3A_506 = arith.addf %parallel_loop3A_474, %parallel_loop3A_505 : vector<32xbf16>
        %parallel_loop3A_507 = arith.constant 2 : i32
        %parallel_loop3A_508 = arith.constant 0 : i32
        %parallel_loop3A_509 = tpu.memref_slice %arg7[%parallel_loop3A_507, %parallel_loop3A_508] : memref<8x4096xi32, #tpu.memory_space<vmem>> -> memref<1x4096xi32, #tpu.memory_space<vmem>>
        %parallel_loop3A_510 = tpu.memref_squeeze %parallel_loop3A_509 : memref<1x4096xi32, #tpu.memory_space<vmem>> -> memref<4096xi32, #tpu.memory_space<vmem>>
        %parallel_loop3A_511 = tpu.vector_load_idx %parallel_loop3A_510[%parallel_loop3A_427] : memref<4096xi32, #tpu.memory_space<vmem>>[vector<16xi32>], vector<16xi32>,
        %parallel_loop3A_512 = vector.bitcast %parallel_loop3A_511 : vector<16xi32> to vector<32xbf16>
        %parallel_loop3A_513 = arith.constant 2 : i32
        %parallel_loop3A_514 = arith.constant 0 : i32
        %parallel_loop3A_515 = tpu.memref_slice %arg7[%parallel_loop3A_513, %parallel_loop3A_514] : memref<8x4096xi32, #tpu.memory_space<vmem>> -> memref<1x4096xi32, #tpu.memory_space<vmem>>
        %parallel_loop3A_516 = tpu.memref_squeeze %parallel_loop3A_515 : memref<1x4096xi32, #tpu.memory_space<vmem>> -> memref<4096xi32, #tpu.memory_space<vmem>>
        %parallel_loop3A_517 = tpu.vector_load_idx %parallel_loop3A_516[%parallel_loop3A_432] : memref<4096xi32, #tpu.memory_space<vmem>>[vector<16xi32>], vector<16xi32>,
        %parallel_loop3A_518 = vector.bitcast %parallel_loop3A_517 : vector<16xi32> to vector<32xbf16>
        %parallel_loop3A_519 = arith.constant 2 : i32
        %parallel_loop3A_520 = arith.constant 0 : i32
        %parallel_loop3A_521 = tpu.memref_slice %arg8[%parallel_loop3A_519, %parallel_loop3A_520] : memref<8x4096xi32, #tpu.memory_space<vmem>> -> memref<1x4096xi32, #tpu.memory_space<vmem>>
        %parallel_loop3A_522 = tpu.memref_squeeze %parallel_loop3A_521 : memref<1x4096xi32, #tpu.memory_space<vmem>> -> memref<4096xi32, #tpu.memory_space<vmem>>
        %parallel_loop3A_523 = tpu.vector_load_idx %parallel_loop3A_522[%parallel_loop3A_437] : memref<4096xi32, #tpu.memory_space<vmem>>[vector<16xi32>], vector<16xi32>,
        %parallel_loop3A_524 = vector.bitcast %parallel_loop3A_523 : vector<16xi32> to vector<32xbf16>
        %parallel_loop3A_525 = arith.constant 2 : i32
        %parallel_loop3A_526 = arith.constant 0 : i32
        %parallel_loop3A_527 = tpu.memref_slice %arg8[%parallel_loop3A_525, %parallel_loop3A_526] : memref<8x4096xi32, #tpu.memory_space<vmem>> -> memref<1x4096xi32, #tpu.memory_space<vmem>>
        %parallel_loop3A_528 = tpu.memref_squeeze %parallel_loop3A_527 : memref<1x4096xi32, #tpu.memory_space<vmem>> -> memref<4096xi32, #tpu.memory_space<vmem>>
        %parallel_loop3A_529 = tpu.vector_load_idx %parallel_loop3A_528[%parallel_loop3A_442] : memref<4096xi32, #tpu.memory_space<vmem>>[vector<16xi32>], vector<16xi32>,
        %parallel_loop3A_530 = vector.bitcast %parallel_loop3A_529 : vector<16xi32> to vector<32xbf16>
        %parallel_loop3A_531 = arith.mulf %parallel_loop3A_512, %parallel_loop3A_518 : vector<32xbf16>
        %parallel_loop3A_532 = arith.addf %parallel_loop3A_500, %parallel_loop3A_531 : vector<32xbf16>
        %parallel_loop3A_533 = arith.mulf %parallel_loop3A_524, %parallel_loop3A_530 : vector<32xbf16>
        %parallel_loop3A_534 = arith.addf %parallel_loop3A_502, %parallel_loop3A_533 : vector<32xbf16>
        %parallel_loop3A_535 = arith.mulf %parallel_loop3A_512, %parallel_loop3A_530 : vector<32xbf16>
        %parallel_loop3A_536 = arith.addf %parallel_loop3A_504, %parallel_loop3A_535 : vector<32xbf16>
        %parallel_loop3A_537 = arith.mulf %parallel_loop3A_524, %parallel_loop3A_518 : vector<32xbf16>
        %parallel_loop3A_538 = arith.addf %parallel_loop3A_506, %parallel_loop3A_537 : vector<32xbf16>
        %parallel_loop3A_539 = arith.constant 3 : i32
        %parallel_loop3A_540 = arith.constant 0 : i32
        %parallel_loop3A_541 = tpu.memref_slice %arg7[%parallel_loop3A_539, %parallel_loop3A_540] : memref<8x4096xi32, #tpu.memory_space<vmem>> -> memref<1x4096xi32, #tpu.memory_space<vmem>>
        %parallel_loop3A_542 = tpu.memref_squeeze %parallel_loop3A_541 : memref<1x4096xi32, #tpu.memory_space<vmem>> -> memref<4096xi32, #tpu.memory_space<vmem>>
        %parallel_loop3A_543 = tpu.vector_load_idx %parallel_loop3A_542[%parallel_loop3A_427] : memref<4096xi32, #tpu.memory_space<vmem>>[vector<16xi32>], vector<16xi32>,
        %parallel_loop3A_544 = vector.bitcast %parallel_loop3A_543 : vector<16xi32> to vector<32xbf16>
        %parallel_loop3A_545 = arith.constant 3 : i32
        %parallel_loop3A_546 = arith.constant 0 : i32
        %parallel_loop3A_547 = tpu.memref_slice %arg7[%parallel_loop3A_545, %parallel_loop3A_546] : memref<8x4096xi32, #tpu.memory_space<vmem>> -> memref<1x4096xi32, #tpu.memory_space<vmem>>
        %parallel_loop3A_548 = tpu.memref_squeeze %parallel_loop3A_547 : memref<1x4096xi32, #tpu.memory_space<vmem>> -> memref<4096xi32, #tpu.memory_space<vmem>>
        %parallel_loop3A_549 = tpu.vector_load_idx %parallel_loop3A_548[%parallel_loop3A_432] : memref<4096xi32, #tpu.memory_space<vmem>>[vector<16xi32>], vector<16xi32>,
        %parallel_loop3A_550 = vector.bitcast %parallel_loop3A_549 : vector<16xi32> to vector<32xbf16>
        %parallel_loop3A_551 = arith.constant 3 : i32
        %parallel_loop3A_552 = arith.constant 0 : i32
        %parallel_loop3A_553 = tpu.memref_slice %arg8[%parallel_loop3A_551, %parallel_loop3A_552] : memref<8x4096xi32, #tpu.memory_space<vmem>> -> memref<1x4096xi32, #tpu.memory_space<vmem>>
        %parallel_loop3A_554 = tpu.memref_squeeze %parallel_loop3A_553 : memref<1x4096xi32, #tpu.memory_space<vmem>> -> memref<4096xi32, #tpu.memory_space<vmem>>
        %parallel_loop3A_555 = tpu.vector_load_idx %parallel_loop3A_554[%parallel_loop3A_437] : memref<4096xi32, #tpu.memory_space<vmem>>[vector<16xi32>], vector<16xi32>,
        %parallel_loop3A_556 = vector.bitcast %parallel_loop3A_555 : vector<16xi32> to vector<32xbf16>
        %parallel_loop3A_557 = arith.constant 3 : i32
        %parallel_loop3A_558 = arith.constant 0 : i32
        %parallel_loop3A_559 = tpu.memref_slice %arg8[%parallel_loop3A_557, %parallel_loop3A_558] : memref<8x4096xi32, #tpu.memory_space<vmem>> -> memref<1x4096xi32, #tpu.memory_space<vmem>>
        %parallel_loop3A_560 = tpu.memref_squeeze %parallel_loop3A_559 : memref<1x4096xi32, #tpu.memory_space<vmem>> -> memref<4096xi32, #tpu.memory_space<vmem>>
        %parallel_loop3A_561 = tpu.vector_load_idx %parallel_loop3A_560[%parallel_loop3A_442] : memref<4096xi32, #tpu.memory_space<vmem>>[vector<16xi32>], vector<16xi32>,
        %parallel_loop3A_562 = vector.bitcast %parallel_loop3A_561 : vector<16xi32> to vector<32xbf16>
        %parallel_loop3A_563 = arith.mulf %parallel_loop3A_544, %parallel_loop3A_550 : vector<32xbf16>
        %parallel_loop3A_564 = arith.addf %parallel_loop3A_532, %parallel_loop3A_563 : vector<32xbf16>
        %parallel_loop3A_565 = arith.mulf %parallel_loop3A_556, %parallel_loop3A_562 : vector<32xbf16>
        %parallel_loop3A_566 = arith.addf %parallel_loop3A_534, %parallel_loop3A_565 : vector<32xbf16>
        %parallel_loop3A_567 = arith.mulf %parallel_loop3A_544, %parallel_loop3A_562 : vector<32xbf16>
        %parallel_loop3A_568 = arith.addf %parallel_loop3A_536, %parallel_loop3A_567 : vector<32xbf16>
        %parallel_loop3A_569 = arith.mulf %parallel_loop3A_556, %parallel_loop3A_550 : vector<32xbf16>
        %parallel_loop3A_570 = arith.addf %parallel_loop3A_538, %parallel_loop3A_569 : vector<32xbf16>
        %parallel_loop3A_571 = arith.constant 4 : i32
        %parallel_loop3A_572 = arith.constant 0 : i32
        %parallel_loop3A_573 = tpu.memref_slice %arg7[%parallel_loop3A_571, %parallel_loop3A_572] : memref<8x4096xi32, #tpu.memory_space<vmem>> -> memref<1x4096xi32, #tpu.memory_space<vmem>>
        %parallel_loop3A_574 = tpu.memref_squeeze %parallel_loop3A_573 : memref<1x4096xi32, #tpu.memory_space<vmem>> -> memref<4096xi32, #tpu.memory_space<vmem>>
        %parallel_loop3A_575 = tpu.vector_load_idx %parallel_loop3A_574[%parallel_loop3A_427] : memref<4096xi32, #tpu.memory_space<vmem>>[vector<16xi32>], vector<16xi32>,
        %parallel_loop3A_576 = vector.bitcast %parallel_loop3A_575 : vector<16xi32> to vector<32xbf16>
        %parallel_loop3A_577 = arith.constant 4 : i32
        %parallel_loop3A_578 = arith.constant 0 : i32
        %parallel_loop3A_579 = tpu.memref_slice %arg7[%parallel_loop3A_577, %parallel_loop3A_578] : memref<8x4096xi32, #tpu.memory_space<vmem>> -> memref<1x4096xi32, #tpu.memory_space<vmem>>
        %parallel_loop3A_580 = tpu.memref_squeeze %parallel_loop3A_579 : memref<1x4096xi32, #tpu.memory_space<vmem>> -> memref<4096xi32, #tpu.memory_space<vmem>>
        %parallel_loop3A_581 = tpu.vector_load_idx %parallel_loop3A_580[%parallel_loop3A_432] : memref<4096xi32, #tpu.memory_space<vmem>>[vector<16xi32>], vector<16xi32>,
        %parallel_loop3A_582 = vector.bitcast %parallel_loop3A_581 : vector<16xi32> to vector<32xbf16>
        %parallel_loop3A_583 = arith.constant 4 : i32
        %parallel_loop3A_584 = arith.constant 0 : i32
        %parallel_loop3A_585 = tpu.memref_slice %arg8[%parallel_loop3A_583, %parallel_loop3A_584] : memref<8x4096xi32, #tpu.memory_space<vmem>> -> memref<1x4096xi32, #tpu.memory_space<vmem>>
        %parallel_loop3A_586 = tpu.memref_squeeze %parallel_loop3A_585 : memref<1x4096xi32, #tpu.memory_space<vmem>> -> memref<4096xi32, #tpu.memory_space<vmem>>
        %parallel_loop3A_587 = tpu.vector_load_idx %parallel_loop3A_586[%parallel_loop3A_437] : memref<4096xi32, #tpu.memory_space<vmem>>[vector<16xi32>], vector<16xi32>,
        %parallel_loop3A_588 = vector.bitcast %parallel_loop3A_587 : vector<16xi32> to vector<32xbf16>
        %parallel_loop3A_589 = arith.constant 4 : i32
        %parallel_loop3A_590 = arith.constant 0 : i32
        %parallel_loop3A_591 = tpu.memref_slice %arg8[%parallel_loop3A_589, %parallel_loop3A_590] : memref<8x4096xi32, #tpu.memory_space<vmem>> -> memref<1x4096xi32, #tpu.memory_space<vmem>>
        %parallel_loop3A_592 = tpu.memref_squeeze %parallel_loop3A_591 : memref<1x4096xi32, #tpu.memory_space<vmem>> -> memref<4096xi32, #tpu.memory_space<vmem>>
        %parallel_loop3A_593 = tpu.vector_load_idx %parallel_loop3A_592[%parallel_loop3A_442] : memref<4096xi32, #tpu.memory_space<vmem>>[vector<16xi32>], vector<16xi32>,
        %parallel_loop3A_594 = vector.bitcast %parallel_loop3A_593 : vector<16xi32> to vector<32xbf16>
        %parallel_loop3A_595 = arith.mulf %parallel_loop3A_576, %parallel_loop3A_582 : vector<32xbf16>
        %parallel_loop3A_596 = arith.addf %parallel_loop3A_564, %parallel_loop3A_595 : vector<32xbf16>
        %parallel_loop3A_597 = arith.mulf %parallel_loop3A_588, %parallel_loop3A_594 : vector<32xbf16>
        %parallel_loop3A_598 = arith.addf %parallel_loop3A_566, %parallel_loop3A_597 : vector<32xbf16>
        %parallel_loop3A_599 = arith.mulf %parallel_loop3A_576, %parallel_loop3A_594 : vector<32xbf16>
        %parallel_loop3A_600 = arith.addf %parallel_loop3A_568, %parallel_loop3A_599 : vector<32xbf16>
        %parallel_loop3A_601 = arith.mulf %parallel_loop3A_588, %parallel_loop3A_582 : vector<32xbf16>
        %parallel_loop3A_602 = arith.addf %parallel_loop3A_570, %parallel_loop3A_601 : vector<32xbf16>
        %parallel_loop3A_603 = arith.constant 5 : i32
        %parallel_loop3A_604 = arith.constant 0 : i32
        %parallel_loop3A_605 = tpu.memref_slice %arg7[%parallel_loop3A_603, %parallel_loop3A_604] : memref<8x4096xi32, #tpu.memory_space<vmem>> -> memref<1x4096xi32, #tpu.memory_space<vmem>>
        %parallel_loop3A_606 = tpu.memref_squeeze %parallel_loop3A_605 : memref<1x4096xi32, #tpu.memory_space<vmem>> -> memref<4096xi32, #tpu.memory_space<vmem>>
        %parallel_loop3A_607 = tpu.vector_load_idx %parallel_loop3A_606[%parallel_loop3A_427] : memref<4096xi32, #tpu.memory_space<vmem>>[vector<16xi32>], vector<16xi32>,
        %parallel_loop3A_608 = vector.bitcast %parallel_loop3A_607 : vector<16xi32> to vector<32xbf16>
        %parallel_loop3A_609 = arith.constant 5 : i32
        %parallel_loop3A_610 = arith.constant 0 : i32
        %parallel_loop3A_611 = tpu.memref_slice %arg7[%parallel_loop3A_609, %parallel_loop3A_610] : memref<8x4096xi32, #tpu.memory_space<vmem>> -> memref<1x4096xi32, #tpu.memory_space<vmem>>
        %parallel_loop3A_612 = tpu.memref_squeeze %parallel_loop3A_611 : memref<1x4096xi32, #tpu.memory_space<vmem>> -> memref<4096xi32, #tpu.memory_space<vmem>>
        %parallel_loop3A_613 = tpu.vector_load_idx %parallel_loop3A_612[%parallel_loop3A_432] : memref<4096xi32, #tpu.memory_space<vmem>>[vector<16xi32>], vector<16xi32>,
        %parallel_loop3A_614 = vector.bitcast %parallel_loop3A_613 : vector<16xi32> to vector<32xbf16>
        %parallel_loop3A_615 = arith.constant 5 : i32
        %parallel_loop3A_616 = arith.constant 0 : i32
        %parallel_loop3A_617 = tpu.memref_slice %arg8[%parallel_loop3A_615, %parallel_loop3A_616] : memref<8x4096xi32, #tpu.memory_space<vmem>> -> memref<1x4096xi32, #tpu.memory_space<vmem>>
        %parallel_loop3A_618 = tpu.memref_squeeze %parallel_loop3A_617 : memref<1x4096xi32, #tpu.memory_space<vmem>> -> memref<4096xi32, #tpu.memory_space<vmem>>
        %parallel_loop3A_619 = tpu.vector_load_idx %parallel_loop3A_618[%parallel_loop3A_437] : memref<4096xi32, #tpu.memory_space<vmem>>[vector<16xi32>], vector<16xi32>,
        %parallel_loop3A_620 = vector.bitcast %parallel_loop3A_619 : vector<16xi32> to vector<32xbf16>
        %parallel_loop3A_621 = arith.constant 5 : i32
        %parallel_loop3A_622 = arith.constant 0 : i32
        %parallel_loop3A_623 = tpu.memref_slice %arg8[%parallel_loop3A_621, %parallel_loop3A_622] : memref<8x4096xi32, #tpu.memory_space<vmem>> -> memref<1x4096xi32, #tpu.memory_space<vmem>>
        %parallel_loop3A_624 = tpu.memref_squeeze %parallel_loop3A_623 : memref<1x4096xi32, #tpu.memory_space<vmem>> -> memref<4096xi32, #tpu.memory_space<vmem>>
        %parallel_loop3A_625 = tpu.vector_load_idx %parallel_loop3A_624[%parallel_loop3A_442] : memref<4096xi32, #tpu.memory_space<vmem>>[vector<16xi32>], vector<16xi32>,
        %parallel_loop3A_626 = vector.bitcast %parallel_loop3A_625 : vector<16xi32> to vector<32xbf16>
        %parallel_loop3A_627 = arith.mulf %parallel_loop3A_608, %parallel_loop3A_614 : vector<32xbf16>
        %parallel_loop3A_628 = arith.addf %parallel_loop3A_596, %parallel_loop3A_627 : vector<32xbf16>
        %parallel_loop3A_629 = arith.mulf %parallel_loop3A_620, %parallel_loop3A_626 : vector<32xbf16>
        %parallel_loop3A_630 = arith.addf %parallel_loop3A_598, %parallel_loop3A_629 : vector<32xbf16>
        %parallel_loop3A_631 = arith.mulf %parallel_loop3A_608, %parallel_loop3A_626 : vector<32xbf16>
        %parallel_loop3A_632 = arith.addf %parallel_loop3A_600, %parallel_loop3A_631 : vector<32xbf16>
        %parallel_loop3A_633 = arith.mulf %parallel_loop3A_620, %parallel_loop3A_614 : vector<32xbf16>
        %parallel_loop3A_634 = arith.addf %parallel_loop3A_602, %parallel_loop3A_633 : vector<32xbf16>
        %parallel_loop3A_635 = arith.constant 6 : i32
        %parallel_loop3A_636 = arith.constant 0 : i32
        %parallel_loop3A_637 = tpu.memref_slice %arg7[%parallel_loop3A_635, %parallel_loop3A_636] : memref<8x4096xi32, #tpu.memory_space<vmem>> -> memref<1x4096xi32, #tpu.memory_space<vmem>>
        %parallel_loop3A_638 = tpu.memref_squeeze %parallel_loop3A_637 : memref<1x4096xi32, #tpu.memory_space<vmem>> -> memref<4096xi32, #tpu.memory_space<vmem>>
        %parallel_loop3A_639 = tpu.vector_load_idx %parallel_loop3A_638[%parallel_loop3A_427] : memref<4096xi32, #tpu.memory_space<vmem>>[vector<16xi32>], vector<16xi32>,
        %parallel_loop3A_640 = vector.bitcast %parallel_loop3A_639 : vector<16xi32> to vector<32xbf16>
        %parallel_loop3A_641 = arith.constant 6 : i32
        %parallel_loop3A_642 = arith.constant 0 : i32
        %parallel_loop3A_643 = tpu.memref_slice %arg7[%parallel_loop3A_641, %parallel_loop3A_642] : memref<8x4096xi32, #tpu.memory_space<vmem>> -> memref<1x4096xi32, #tpu.memory_space<vmem>>
        %parallel_loop3A_644 = tpu.memref_squeeze %parallel_loop3A_643 : memref<1x4096xi32, #tpu.memory_space<vmem>> -> memref<4096xi32, #tpu.memory_space<vmem>>
        %parallel_loop3A_645 = tpu.vector_load_idx %parallel_loop3A_644[%parallel_loop3A_432] : memref<4096xi32, #tpu.memory_space<vmem>>[vector<16xi32>], vector<16xi32>,
        %parallel_loop3A_646 = vector.bitcast %parallel_loop3A_645 : vector<16xi32> to vector<32xbf16>
        %parallel_loop3A_647 = arith.constant 6 : i32
        %parallel_loop3A_648 = arith.constant 0 : i32
        %parallel_loop3A_649 = tpu.memref_slice %arg8[%parallel_loop3A_647, %parallel_loop3A_648] : memref<8x4096xi32, #tpu.memory_space<vmem>> -> memref<1x4096xi32, #tpu.memory_space<vmem>>
        %parallel_loop3A_650 = tpu.memref_squeeze %parallel_loop3A_649 : memref<1x4096xi32, #tpu.memory_space<vmem>> -> memref<4096xi32, #tpu.memory_space<vmem>>
        %parallel_loop3A_651 = tpu.vector_load_idx %parallel_loop3A_650[%parallel_loop3A_437] : memref<4096xi32, #tpu.memory_space<vmem>>[vector<16xi32>], vector<16xi32>,
        %parallel_loop3A_652 = vector.bitcast %parallel_loop3A_651 : vector<16xi32> to vector<32xbf16>
        %parallel_loop3A_653 = arith.constant 6 : i32
        %parallel_loop3A_654 = arith.constant 0 : i32
        %parallel_loop3A_655 = tpu.memref_slice %arg8[%parallel_loop3A_653, %parallel_loop3A_654] : memref<8x4096xi32, #tpu.memory_space<vmem>> -> memref<1x4096xi32, #tpu.memory_space<vmem>>
        %parallel_loop3A_656 = tpu.memref_squeeze %parallel_loop3A_655 : memref<1x4096xi32, #tpu.memory_space<vmem>> -> memref<4096xi32, #tpu.memory_space<vmem>>
        %parallel_loop3A_657 = tpu.vector_load_idx %parallel_loop3A_656[%parallel_loop3A_442] : memref<4096xi32, #tpu.memory_space<vmem>>[vector<16xi32>], vector<16xi32>,
        %parallel_loop3A_658 = vector.bitcast %parallel_loop3A_657 : vector<16xi32> to vector<32xbf16>
        %parallel_loop3A_659 = arith.mulf %parallel_loop3A_640, %parallel_loop3A_646 : vector<32xbf16>
        %parallel_loop3A_660 = arith.addf %parallel_loop3A_628, %parallel_loop3A_659 : vector<32xbf16>
        %parallel_loop3A_661 = arith.mulf %parallel_loop3A_652, %parallel_loop3A_658 : vector<32xbf16>
        %parallel_loop3A_662 = arith.addf %parallel_loop3A_630, %parallel_loop3A_661 : vector<32xbf16>
        %parallel_loop3A_663 = arith.mulf %parallel_loop3A_640, %parallel_loop3A_658 : vector<32xbf16>
        %parallel_loop3A_664 = arith.addf %parallel_loop3A_632, %parallel_loop3A_663 : vector<32xbf16>
        %parallel_loop3A_665 = arith.mulf %parallel_loop3A_652, %parallel_loop3A_646 : vector<32xbf16>
        %parallel_loop3A_666 = arith.addf %parallel_loop3A_634, %parallel_loop3A_665 : vector<32xbf16>
        %parallel_loop3A_667 = arith.constant 7 : i32
        %parallel_loop3A_668 = arith.constant 0 : i32
        %parallel_loop3A_669 = tpu.memref_slice %arg7[%parallel_loop3A_667, %parallel_loop3A_668] : memref<8x4096xi32, #tpu.memory_space<vmem>> -> memref<1x4096xi32, #tpu.memory_space<vmem>>
        %parallel_loop3A_670 = tpu.memref_squeeze %parallel_loop3A_669 : memref<1x4096xi32, #tpu.memory_space<vmem>> -> memref<4096xi32, #tpu.memory_space<vmem>>
        %parallel_loop3A_671 = tpu.vector_load_idx %parallel_loop3A_670[%parallel_loop3A_427] : memref<4096xi32, #tpu.memory_space<vmem>>[vector<16xi32>], vector<16xi32>,
        %parallel_loop3A_672 = vector.bitcast %parallel_loop3A_671 : vector<16xi32> to vector<32xbf16>
        %parallel_loop3A_673 = arith.constant 7 : i32
        %parallel_loop3A_674 = arith.constant 0 : i32
        %parallel_loop3A_675 = tpu.memref_slice %arg7[%parallel_loop3A_673, %parallel_loop3A_674] : memref<8x4096xi32, #tpu.memory_space<vmem>> -> memref<1x4096xi32, #tpu.memory_space<vmem>>
        %parallel_loop3A_676 = tpu.memref_squeeze %parallel_loop3A_675 : memref<1x4096xi32, #tpu.memory_space<vmem>> -> memref<4096xi32, #tpu.memory_space<vmem>>
        %parallel_loop3A_677 = tpu.vector_load_idx %parallel_loop3A_676[%parallel_loop3A_432] : memref<4096xi32, #tpu.memory_space<vmem>>[vector<16xi32>], vector<16xi32>,
        %parallel_loop3A_678 = vector.bitcast %parallel_loop3A_677 : vector<16xi32> to vector<32xbf16>
        %parallel_loop3A_679 = arith.constant 7 : i32
        %parallel_loop3A_680 = arith.constant 0 : i32
        %parallel_loop3A_681 = tpu.memref_slice %arg8[%parallel_loop3A_679, %parallel_loop3A_680] : memref<8x4096xi32, #tpu.memory_space<vmem>> -> memref<1x4096xi32, #tpu.memory_space<vmem>>
        %parallel_loop3A_682 = tpu.memref_squeeze %parallel_loop3A_681 : memref<1x4096xi32, #tpu.memory_space<vmem>> -> memref<4096xi32, #tpu.memory_space<vmem>>
        %parallel_loop3A_683 = tpu.vector_load_idx %parallel_loop3A_682[%parallel_loop3A_437] : memref<4096xi32, #tpu.memory_space<vmem>>[vector<16xi32>], vector<16xi32>,
        %parallel_loop3A_684 = vector.bitcast %parallel_loop3A_683 : vector<16xi32> to vector<32xbf16>
        %parallel_loop3A_685 = arith.constant 7 : i32
        %parallel_loop3A_686 = arith.constant 0 : i32
        %parallel_loop3A_687 = tpu.memref_slice %arg8[%parallel_loop3A_685, %parallel_loop3A_686] : memref<8x4096xi32, #tpu.memory_space<vmem>> -> memref<1x4096xi32, #tpu.memory_space<vmem>>
        %parallel_loop3A_688 = tpu.memref_squeeze %parallel_loop3A_687 : memref<1x4096xi32, #tpu.memory_space<vmem>> -> memref<4096xi32, #tpu.memory_space<vmem>>
        %parallel_loop3A_689 = tpu.vector_load_idx %parallel_loop3A_688[%parallel_loop3A_442] : memref<4096xi32, #tpu.memory_space<vmem>>[vector<16xi32>], vector<16xi32>,
        %parallel_loop3A_690 = vector.bitcast %parallel_loop3A_689 : vector<16xi32> to vector<32xbf16>
        %parallel_loop3A_691 = arith.mulf %parallel_loop3A_672, %parallel_loop3A_678 : vector<32xbf16>
        %parallel_loop3A_692 = arith.addf %parallel_loop3A_660, %parallel_loop3A_691 : vector<32xbf16>
        %parallel_loop3A_693 = arith.mulf %parallel_loop3A_684, %parallel_loop3A_690 : vector<32xbf16>
        %parallel_loop3A_694 = arith.addf %parallel_loop3A_662, %parallel_loop3A_693 : vector<32xbf16>
        %parallel_loop3A_695 = arith.mulf %parallel_loop3A_672, %parallel_loop3A_690 : vector<32xbf16>
        %parallel_loop3A_696 = arith.addf %parallel_loop3A_664, %parallel_loop3A_695 : vector<32xbf16>
        %parallel_loop3A_697 = arith.mulf %parallel_loop3A_684, %parallel_loop3A_678 : vector<32xbf16>
        %parallel_loop3A_698 = arith.addf %parallel_loop3A_666, %parallel_loop3A_697 : vector<32xbf16>
        %parallel_loop3A_699 = tpu.unpack_subelements %parallel_loop3A_692, 0 {pack_format = #tpu.pack_format<interleaved>} : vector<32xbf16> -> vector<16xf32>
        %parallel_loop3A_700 = tpu.unpack_subelements %parallel_loop3A_692, 1 {pack_format = #tpu.pack_format<interleaved>} : vector<32xbf16> -> vector<16xf32>
        %parallel_loop3A_701 = arith.addf %parallel_loop3A_699, %parallel_loop3A_700 : vector<16xf32>
        %parallel_loop3A_702 = arith.constant 0 : i32
        %parallel_loop3A_703 = tpu.memref_slice %arg13[%rem3A_299, %parallel_loop3A_352, %parallel_loop3A_702] : memref<2x4x2048xf32, #tpu.memory_space<vmem>> -> memref<1x1x2048xf32, #tpu.memory_space<vmem>>
        %parallel_loop3A_704 = tpu.memref_squeeze %parallel_loop3A_703 : memref<1x1x2048xf32, #tpu.memory_space<vmem>> -> memref<2048xf32, #tpu.memory_space<vmem>>
        %parallel_loop3A_705 = arith.index_cast %parallel_loop3A_422 : i32 to index
        %parallel_loop3A_706 = tpu.vector_load %parallel_loop3A_704[%parallel_loop3A_705] {strides = array<i32>} : memref<2048xf32, #tpu.memory_space<vmem>>, vector<16xf32>,
        tpu.vector_store %parallel_loop3A_704[%parallel_loop3A_705], %parallel_loop3A_701 {strides = array<i32>} : memref<2048xf32, #tpu.memory_space<vmem>>, vector<16xf32>,
        %parallel_loop3A_707 = tpu.unpack_subelements %parallel_loop3A_694, 0 {pack_format = #tpu.pack_format<interleaved>} : vector<32xbf16> -> vector<16xf32>
        %parallel_loop3A_708 = tpu.unpack_subelements %parallel_loop3A_694, 1 {pack_format = #tpu.pack_format<interleaved>} : vector<32xbf16> -> vector<16xf32>
        %parallel_loop3A_709 = arith.addf %parallel_loop3A_707, %parallel_loop3A_708 : vector<16xf32>
        %parallel_loop3A_710 = arith.constant 0 : i32
        %parallel_loop3A_711 = tpu.memref_slice %arg13[%rem3A_299, %parallel_loop3A_353, %parallel_loop3A_710] : memref<2x4x2048xf32, #tpu.memory_space<vmem>> -> memref<1x1x2048xf32, #tpu.memory_space<vmem>>
        %parallel_loop3A_712 = tpu.memref_squeeze %parallel_loop3A_711 : memref<1x1x2048xf32, #tpu.memory_space<vmem>> -> memref<2048xf32, #tpu.memory_space<vmem>>
        %parallel_loop3A_713 = arith.index_cast %parallel_loop3A_422 : i32 to index
        %parallel_loop3A_714 = tpu.vector_load %parallel_loop3A_712[%parallel_loop3A_713] {strides = array<i32>} : memref<2048xf32, #tpu.memory_space<vmem>>, vector<16xf32>,
        tpu.vector_store %parallel_loop3A_712[%parallel_loop3A_713], %parallel_loop3A_709 {strides = array<i32>} : memref<2048xf32, #tpu.memory_space<vmem>>, vector<16xf32>,
        %parallel_loop3A_715 = tpu.unpack_subelements %parallel_loop3A_696, 0 {pack_format = #tpu.pack_format<interleaved>} : vector<32xbf16> -> vector<16xf32>
        %parallel_loop3A_716 = tpu.unpack_subelements %parallel_loop3A_696, 1 {pack_format = #tpu.pack_format<interleaved>} : vector<32xbf16> -> vector<16xf32>
        %parallel_loop3A_717 = arith.addf %parallel_loop3A_715, %parallel_loop3A_716 : vector<16xf32>
        %parallel_loop3A_718 = arith.constant 0 : i32
        %parallel_loop3A_719 = tpu.memref_slice %arg13[%rem3A_299, %parallel_loop3A_354, %parallel_loop3A_718] : memref<2x4x2048xf32, #tpu.memory_space<vmem>> -> memref<1x1x2048xf32, #tpu.memory_space<vmem>>
        %parallel_loop3A_720 = tpu.memref_squeeze %parallel_loop3A_719 : memref<1x1x2048xf32, #tpu.memory_space<vmem>> -> memref<2048xf32, #tpu.memory_space<vmem>>
        %parallel_loop3A_721 = arith.index_cast %parallel_loop3A_422 : i32 to index
        %parallel_loop3A_722 = tpu.vector_load %parallel_loop3A_720[%parallel_loop3A_721] {strides = array<i32>} : memref<2048xf32, #tpu.memory_space<vmem>>, vector<16xf32>,
        tpu.vector_store %parallel_loop3A_720[%parallel_loop3A_721], %parallel_loop3A_717 {strides = array<i32>} : memref<2048xf32, #tpu.memory_space<vmem>>, vector<16xf32>,
        %parallel_loop3A_723 = tpu.unpack_subelements %parallel_loop3A_698, 0 {pack_format = #tpu.pack_format<interleaved>} : vector<32xbf16> -> vector<16xf32>
        %parallel_loop3A_724 = tpu.unpack_subelements %parallel_loop3A_698, 1 {pack_format = #tpu.pack_format<interleaved>} : vector<32xbf16> -> vector<16xf32>
        %parallel_loop3A_725 = arith.addf %parallel_loop3A_723, %parallel_loop3A_724 : vector<16xf32>
        %parallel_loop3A_726 = arith.constant 0 : i32
        %parallel_loop3A_727 = tpu.memref_slice %arg13[%rem3A_299, %parallel_loop3A_355, %parallel_loop3A_726] : memref<2x4x2048xf32, #tpu.memory_space<vmem>> -> memref<1x1x2048xf32, #tpu.memory_space<vmem>>
        %parallel_loop3A_728 = tpu.memref_squeeze %parallel_loop3A_727 : memref<1x1x2048xf32, #tpu.memory_space<vmem>> -> memref<2048xf32, #tpu.memory_space<vmem>>
        %parallel_loop3A_729 = arith.index_cast %parallel_loop3A_422 : i32 to index
        %parallel_loop3A_730 = tpu.vector_load %parallel_loop3A_728[%parallel_loop3A_729] {strides = array<i32>} : memref<2048xf32, #tpu.memory_space<vmem>>, vector<16xf32>,
        tpu.vector_store %parallel_loop3A_728[%parallel_loop3A_729], %parallel_loop3A_725 {strides = array<i32>} : memref<2048xf32, #tpu.memory_space<vmem>>, vector<16xf32>,
      } {sc.loop_unroll_factor = 2 : i64, sc.parallel_access}
      %mul3A_356 = arith.constant 2048 : i32
      %mul3A_357 = arith.muli %scan3A_297, %mul3A_356 : i32
      %add3A_358 = arith.addi %mul3A_0, %mul3A_357 : i32
      %dma_start3A_359 = arith.constant 0 : i32
      %dma_start3A_360 = arith.constant 0 : i32
      %dma_start3A_361 = arith.constant 0 : i32
      %dma_start3A_362 = tpu.memref_slice %arg13[%rem3A_299, %dma_start3A_359, %dma_start3A_361] : memref<2x4x2048xf32, #tpu.memory_space<vmem>> -> memref<1x1x2048xf32, #tpu.memory_space<vmem>>
      %dma_start3A_363 = tpu.memref_squeeze %dma_start3A_362 : memref<1x1x2048xf32, #tpu.memory_space<vmem>> -> memref<2048xf32, #tpu.memory_space<vmem>>
      %dma_start3A_364 = tpu.memref_slice %arg6[%dma_start3A_360, %arg1, %add3A_358] : memref<4x16x32768xf32, #tpu.memory_space<hbm>> -> memref<1x1x2048xf32, #tpu.memory_space<hbm>>
      %dma_start3A_365 = tpu.memref_squeeze %dma_start3A_364 : memref<1x1x2048xf32, #tpu.memory_space<hbm>> -> memref<2048xf32, #tpu.memory_space<hbm>>
      %dma_start3A_366 = tpu.memref_slice %arg15[%rem3A_299] : memref<2x!tpu.dma_semaphore, #tpu.memory_space<semaphore_mem>> -> memref<1x!tpu.dma_semaphore, #tpu.memory_space<semaphore_mem>>
      %dma_start3A_367 = tpu.memref_squeeze %dma_start3A_366 : memref<1x!tpu.dma_semaphore, #tpu.memory_space<semaphore_mem>> -> memref<!tpu.dma_semaphore, #tpu.memory_space<semaphore_mem>>
      %dma_start3A_368 = tpu.memref_slice %arg6[%dma_start3A_360, %arg1, %add3A_358] : memref<4x16x32768xf32, #tpu.memory_space<hbm>> -> memref<1x1x2048xf32, #tpu.memory_space<hbm>>
      %dma_start3A_369 = tpu.memref_squeeze %dma_start3A_368 : memref<1x1x2048xf32, #tpu.memory_space<hbm>> -> memref<2048xf32, #tpu.memory_space<hbm>>
      %dma_start3A_370 = arith.constant 0 : i32
      %dma_start3A_371 = tpu.memref_slice %arg13[%rem3A_299, %dma_start3A_359, %dma_start3A_370] : memref<2x4x2048xf32, #tpu.memory_space<vmem>> -> memref<1x1x2048xf32, #tpu.memory_space<vmem>>
      %dma_start3A_372 = tpu.memref_squeeze %dma_start3A_371 : memref<1x1x2048xf32, #tpu.memory_space<vmem>> -> memref<2048xf32, #tpu.memory_space<vmem>>
      tpu.enqueue_dma source(%dma_start3A_372 : memref<2048xf32, #tpu.memory_space<vmem>>) target(%dma_start3A_369 : memref<2048xf32, #tpu.memory_space<hbm>>) target_semaphore(%dma_start3A_367 : memref<!tpu.dma_semaphore, #tpu.memory_space<semaphore_mem>>)
      %dma_start3A_373 = arith.constant 1 : i32
      %dma_start3A_374 = arith.constant 1 : i32
      %dma_start3A_375 = arith.constant 0 : i32
      %dma_start3A_376 = tpu.memref_slice %arg13[%rem3A_299, %dma_start3A_373, %dma_start3A_375] : memref<2x4x2048xf32, #tpu.memory_space<vmem>> -> memref<1x1x2048xf32, #tpu.memory_space<vmem>>
      %dma_start3A_377 = tpu.memref_squeeze %dma_start3A_376 : memref<1x1x2048xf32, #tpu.memory_space<vmem>> -> memref<2048xf32, #tpu.memory_space<vmem>>
      %dma_start3A_378 = tpu.memref_slice %arg6[%dma_start3A_374, %arg1, %add3A_358] : memref<4x16x32768xf32, #tpu.memory_space<hbm>> -> memref<1x1x2048xf32, #tpu.memory_space<hbm>>
      %dma_start3A_379 = tpu.memref_squeeze %dma_start3A_378 : memref<1x1x2048xf32, #tpu.memory_space<hbm>> -> memref<2048xf32, #tpu.memory_space<hbm>>
      %dma_start3A_380 = tpu.memref_slice %arg15[%rem3A_299] : memref<2x!tpu.dma_semaphore, #tpu.memory_space<semaphore_mem>> -> memref<1x!tpu.dma_semaphore, #tpu.memory_space<semaphore_mem>>
      %dma_start3A_381 = tpu.memref_squeeze %dma_start3A_380 : memref<1x!tpu.dma_semaphore, #tpu.memory_space<semaphore_mem>> -> memref<!tpu.dma_semaphore, #tpu.memory_space<semaphore_mem>>
      %dma_start3A_382 = tpu.memref_slice %arg6[%dma_start3A_374, %arg1, %add3A_358] : memref<4x16x32768xf32, #tpu.memory_space<hbm>> -> memref<1x1x2048xf32, #tpu.memory_space<hbm>>
      %dma_start3A_383 = tpu.memref_squeeze %dma_start3A_382 : memref<1x1x2048xf32, #tpu.memory_space<hbm>> -> memref<2048xf32, #tpu.memory_space<hbm>>
      %dma_start3A_384 = arith.constant 0 : i32
      %dma_start3A_385 = tpu.memref_slice %arg13[%rem3A_299, %dma_start3A_373, %dma_start3A_384] : memref<2x4x2048xf32, #tpu.memory_space<vmem>> -> memref<1x1x2048xf32, #tpu.memory_space<vmem>>
      %dma_start3A_386 = tpu.memref_squeeze %dma_start3A_385 : memref<1x1x2048xf32, #tpu.memory_space<vmem>> -> memref<2048xf32, #tpu.memory_space<vmem>>
      tpu.enqueue_dma source(%dma_start3A_386 : memref<2048xf32, #tpu.memory_space<vmem>>) target(%dma_start3A_383 : memref<2048xf32, #tpu.memory_space<hbm>>) target_semaphore(%dma_start3A_381 : memref<!tpu.dma_semaphore, #tpu.memory_space<semaphore_mem>>)
      %dma_start3A_387 = arith.constant 2 : i32
      %dma_start3A_388 = arith.constant 2 : i32
      %dma_start3A_389 = arith.constant 0 : i32
      %dma_start3A_390 = tpu.memref_slice %arg13[%rem3A_299, %dma_start3A_387, %dma_start3A_389] : memref<2x4x2048xf32, #tpu.memory_space<vmem>> -> memref<1x1x2048xf32, #tpu.memory_space<vmem>>
      %dma_start3A_391 = tpu.memref_squeeze %dma_start3A_390 : memref<1x1x2048xf32, #tpu.memory_space<vmem>> -> memref<2048xf32, #tpu.memory_space<vmem>>
      %dma_start3A_392 = tpu.memref_slice %arg6[%dma_start3A_388, %arg1, %add3A_358] : memref<4x16x32768xf32, #tpu.memory_space<hbm>> -> memref<1x1x2048xf32, #tpu.memory_space<hbm>>
      %dma_start3A_393 = tpu.memref_squeeze %dma_start3A_392 : memref<1x1x2048xf32, #tpu.memory_space<hbm>> -> memref<2048xf32, #tpu.memory_space<hbm>>
      %dma_start3A_394 = tpu.memref_slice %arg15[%rem3A_299] : memref<2x!tpu.dma_semaphore, #tpu.memory_space<semaphore_mem>> -> memref<1x!tpu.dma_semaphore, #tpu.memory_space<semaphore_mem>>
      %dma_start3A_395 = tpu.memref_squeeze %dma_start3A_394 : memref<1x!tpu.dma_semaphore, #tpu.memory_space<semaphore_mem>> -> memref<!tpu.dma_semaphore, #tpu.memory_space<semaphore_mem>>
      %dma_start3A_396 = tpu.memref_slice %arg6[%dma_start3A_388, %arg1, %add3A_358] : memref<4x16x32768xf32, #tpu.memory_space<hbm>> -> memref<1x1x2048xf32, #tpu.memory_space<hbm>>
      %dma_start3A_397 = tpu.memref_squeeze %dma_start3A_396 : memref<1x1x2048xf32, #tpu.memory_space<hbm>> -> memref<2048xf32, #tpu.memory_space<hbm>>
      %dma_start3A_398 = arith.constant 0 : i32
      %dma_start3A_399 = tpu.memref_slice %arg13[%rem3A_299, %dma_start3A_387, %dma_start3A_398] : memref<2x4x2048xf32, #tpu.memory_space<vmem>> -> memref<1x1x2048xf32, #tpu.memory_space<vmem>>
      %dma_start3A_400 = tpu.memref_squeeze %dma_start3A_399 : memref<1x1x2048xf32, #tpu.memory_space<vmem>> -> memref<2048xf32, #tpu.memory_space<vmem>>
      tpu.enqueue_dma source(%dma_start3A_400 : memref<2048xf32, #tpu.memory_space<vmem>>) target(%dma_start3A_397 : memref<2048xf32, #tpu.memory_space<hbm>>) target_semaphore(%dma_start3A_395 : memref<!tpu.dma_semaphore, #tpu.memory_space<semaphore_mem>>)
      %dma_start3A_401 = arith.constant 3 : i32
      %dma_start3A_402 = arith.constant 3 : i32
      %dma_start3A_403 = arith.constant 0 : i32
      %dma_start3A_404 = tpu.memref_slice %arg13[%rem3A_299, %dma_start3A_401, %dma_start3A_403] : memref<2x4x2048xf32, #tpu.memory_space<vmem>> -> memref<1x1x2048xf32, #tpu.memory_space<vmem>>
      %dma_start3A_405 = tpu.memref_squeeze %dma_start3A_404 : memref<1x1x2048xf32, #tpu.memory_space<vmem>> -> memref<2048xf32, #tpu.memory_space<vmem>>
      %dma_start3A_406 = tpu.memref_slice %arg6[%dma_start3A_402, %arg1, %add3A_358] : memref<4x16x32768xf32, #tpu.memory_space<hbm>> -> memref<1x1x2048xf32, #tpu.memory_space<hbm>>
      %dma_start3A_407 = tpu.memref_squeeze %dma_start3A_406 : memref<1x1x2048xf32, #tpu.memory_space<hbm>> -> memref<2048xf32, #tpu.memory_space<hbm>>
      %dma_start3A_408 = tpu.memref_slice %arg15[%rem3A_299] : memref<2x!tpu.dma_semaphore, #tpu.memory_space<semaphore_mem>> -> memref<1x!tpu.dma_semaphore, #tpu.memory_space<semaphore_mem>>
      %dma_start3A_409 = tpu.memref_squeeze %dma_start3A_408 : memref<1x!tpu.dma_semaphore, #tpu.memory_space<semaphore_mem>> -> memref<!tpu.dma_semaphore, #tpu.memory_space<semaphore_mem>>
      %dma_start3A_410 = tpu.memref_slice %arg6[%dma_start3A_402, %arg1, %add3A_358] : memref<4x16x32768xf32, #tpu.memory_space<hbm>> -> memref<1x1x2048xf32, #tpu.memory_space<hbm>>
      %dma_start3A_411 = tpu.memref_squeeze %dma_start3A_410 : memref<1x1x2048xf32, #tpu.memory_space<hbm>> -> memref<2048xf32, #tpu.memory_space<hbm>>
      %dma_start3A_412 = arith.constant 0 : i32
      %dma_start3A_413 = tpu.memref_slice %arg13[%rem3A_299, %dma_start3A_401, %dma_start3A_412] : memref<2x4x2048xf32, #tpu.memory_space<vmem>> -> memref<1x1x2048xf32, #tpu.memory_space<vmem>>
      %dma_start3A_414 = tpu.memref_squeeze %dma_start3A_413 : memref<1x1x2048xf32, #tpu.memory_space<vmem>> -> memref<2048xf32, #tpu.memory_space<vmem>>
      tpu.enqueue_dma source(%dma_start3A_414 : memref<2048xf32, #tpu.memory_space<vmem>>) target(%dma_start3A_411 : memref<2048xf32, #tpu.memory_space<hbm>>) target_semaphore(%dma_start3A_409 : memref<!tpu.dma_semaphore, #tpu.memory_space<semaphore_mem>>)
      %lt3A = arith.constant 6 : i32
      %lt3A_415 = arith.cmpi slt, %scan3A_297, %lt3A : i32
      %convert_element_type3A_416 = arith.extui %lt3A_415 : i1 to i32
      %cond3A_417 = arith.constant 0 : i32
      %cond3A_418 = arith.cmpi ne, %convert_element_type3A_416, %cond3A_417 : i32
      scf.if %cond3A_418 {
        %add3A_420 = arith.constant 2 : i32
        %add3A_421 = arith.addi %scan3A_297, %add3A_420 : i32
        %mul3A_422 = arith.constant 2048 : i32
        %mul3A_423 = arith.muli %add3A_421, %mul3A_422 : i32
        %add3A_424 = arith.addi %mul3A_0, %mul3A_423 : i32
        %dma_start3A_425 = arith.constant 0 : i32
        %dma_start3A_426 = tpu.memref_slice %arg9[%rem3A_299, %dma_start3A_425] : memref<2x2048xi32, #tpu.memory_space<vmem>> -> memref<1x2048xi32, #tpu.memory_space<vmem>>
        %dma_start3A_427 = tpu.memref_squeeze %dma_start3A_426 : memref<1x2048xi32, #tpu.memory_space<vmem>> -> memref<2048xi32, #tpu.memory_space<vmem>>
        %dma_start3A_428 = tpu.memref_slice %arg4[%add3A_424] : memref<65536xi32, #tpu.memory_space<hbm>> -> memref<2048xi32, #tpu.memory_space<hbm>>
        %dma_start3A_429 = tpu.memref_slice %arg14[%rem3A_299] : memref<2x!tpu.dma_semaphore, #tpu.memory_space<semaphore_mem>> -> memref<1x!tpu.dma_semaphore, #tpu.memory_space<semaphore_mem>>
        %dma_start3A_430 = tpu.memref_squeeze %dma_start3A_429 : memref<1x!tpu.dma_semaphore, #tpu.memory_space<semaphore_mem>> -> memref<!tpu.dma_semaphore, #tpu.memory_space<semaphore_mem>>
        %dma_start3A_431 = arith.constant 0 : i32
        %dma_start3A_432 = tpu.memref_slice %arg9[%rem3A_299, %dma_start3A_431] : memref<2x2048xi32, #tpu.memory_space<vmem>> -> memref<1x2048xi32, #tpu.memory_space<vmem>>
        %dma_start3A_433 = tpu.memref_squeeze %dma_start3A_432 : memref<1x2048xi32, #tpu.memory_space<vmem>> -> memref<2048xi32, #tpu.memory_space<vmem>>
        %dma_start3A_434 = tpu.memref_slice %arg4[%add3A_424] : memref<65536xi32, #tpu.memory_space<hbm>> -> memref<2048xi32, #tpu.memory_space<hbm>>
        tpu.enqueue_dma source(%dma_start3A_434 : memref<2048xi32, #tpu.memory_space<hbm>>) target(%dma_start3A_433 : memref<2048xi32, #tpu.memory_space<vmem>>) target_semaphore(%dma_start3A_430 : memref<!tpu.dma_semaphore, #tpu.memory_space<semaphore_mem>>)
        %add3A_435 = arith.constant 32768 : i32
        %add3A_436 = arith.addi %add3A_435, %add3A_424 : i32
        %dma_start3A_437 = arith.constant 0 : i32
        %dma_start3A_438 = tpu.memref_slice %arg10[%rem3A_299, %dma_start3A_437] : memref<2x2048xi32, #tpu.memory_space<vmem>> -> memref<1x2048xi32, #tpu.memory_space<vmem>>
        %dma_start3A_439 = tpu.memref_squeeze %dma_start3A_438 : memref<1x2048xi32, #tpu.memory_space<vmem>> -> memref<2048xi32, #tpu.memory_space<vmem>>
        %dma_start3A_440 = tpu.memref_slice %arg4[%add3A_436] : memref<65536xi32, #tpu.memory_space<hbm>> -> memref<2048xi32, #tpu.memory_space<hbm>>
        %dma_start3A_441 = tpu.memref_slice %arg14[%rem3A_299] : memref<2x!tpu.dma_semaphore, #tpu.memory_space<semaphore_mem>> -> memref<1x!tpu.dma_semaphore, #tpu.memory_space<semaphore_mem>>
        %dma_start3A_442 = tpu.memref_squeeze %dma_start3A_441 : memref<1x!tpu.dma_semaphore, #tpu.memory_space<semaphore_mem>> -> memref<!tpu.dma_semaphore, #tpu.memory_space<semaphore_mem>>
        %dma_start3A_443 = arith.constant 0 : i32
        %dma_start3A_444 = tpu.memref_slice %arg10[%rem3A_299, %dma_start3A_443] : memref<2x2048xi32, #tpu.memory_space<vmem>> -> memref<1x2048xi32, #tpu.memory_space<vmem>>
        %dma_start3A_445 = tpu.memref_squeeze %dma_start3A_444 : memref<1x2048xi32, #tpu.memory_space<vmem>> -> memref<2048xi32, #tpu.memory_space<vmem>>
        %dma_start3A_446 = tpu.memref_slice %arg4[%add3A_436] : memref<65536xi32, #tpu.memory_space<hbm>> -> memref<2048xi32, #tpu.memory_space<hbm>>
        tpu.enqueue_dma source(%dma_start3A_446 : memref<2048xi32, #tpu.memory_space<hbm>>) target(%dma_start3A_445 : memref<2048xi32, #tpu.memory_space<vmem>>) target_semaphore(%dma_start3A_442 : memref<!tpu.dma_semaphore, #tpu.memory_space<semaphore_mem>>)
        %dma_start3A_447 = arith.constant 0 : i32
        %dma_start3A_448 = tpu.memref_slice %arg11[%rem3A_299, %dma_start3A_447] : memref<2x2048xi32, #tpu.memory_space<vmem>> -> memref<1x2048xi32, #tpu.memory_space<vmem>>
        %dma_start3A_449 = tpu.memref_squeeze %dma_start3A_448 : memref<1x2048xi32, #tpu.memory_space<vmem>> -> memref<2048xi32, #tpu.memory_space<vmem>>
        %dma_start3A_450 = tpu.memref_slice %arg5[%add3A_424] : memref<65536xi32, #tpu.memory_space<hbm>> -> memref<2048xi32, #tpu.memory_space<hbm>>
        %dma_start3A_451 = tpu.memref_slice %arg14[%rem3A_299] : memref<2x!tpu.dma_semaphore, #tpu.memory_space<semaphore_mem>> -> memref<1x!tpu.dma_semaphore, #tpu.memory_space<semaphore_mem>>
        %dma_start3A_452 = tpu.memref_squeeze %dma_start3A_451 : memref<1x!tpu.dma_semaphore, #tpu.memory_space<semaphore_mem>> -> memref<!tpu.dma_semaphore, #tpu.memory_space<semaphore_mem>>
        %dma_start3A_453 = arith.constant 0 : i32
        %dma_start3A_454 = tpu.memref_slice %arg11[%rem3A_299, %dma_start3A_453] : memref<2x2048xi32, #tpu.memory_space<vmem>> -> memref<1x2048xi32, #tpu.memory_space<vmem>>
        %dma_start3A_455 = tpu.memref_squeeze %dma_start3A_454 : memref<1x2048xi32, #tpu.memory_space<vmem>> -> memref<2048xi32, #tpu.memory_space<vmem>>
        %dma_start3A_456 = tpu.memref_slice %arg5[%add3A_424] : memref<65536xi32, #tpu.memory_space<hbm>> -> memref<2048xi32, #tpu.memory_space<hbm>>
        tpu.enqueue_dma source(%dma_start3A_456 : memref<2048xi32, #tpu.memory_space<hbm>>) target(%dma_start3A_455 : memref<2048xi32, #tpu.memory_space<vmem>>) target_semaphore(%dma_start3A_452 : memref<!tpu.dma_semaphore, #tpu.memory_space<semaphore_mem>>)
        %add3A_457 = arith.constant 32768 : i32
        %add3A_458 = arith.addi %add3A_457, %add3A_424 : i32
        %dma_start3A_459 = arith.constant 0 : i32
        %dma_start3A_460 = tpu.memref_slice %arg12[%rem3A_299, %dma_start3A_459] : memref<2x2048xi32, #tpu.memory_space<vmem>> -> memref<1x2048xi32, #tpu.memory_space<vmem>>
        %dma_start3A_461 = tpu.memref_squeeze %dma_start3A_460 : memref<1x2048xi32, #tpu.memory_space<vmem>> -> memref<2048xi32, #tpu.memory_space<vmem>>
        %dma_start3A_462 = tpu.memref_slice %arg5[%add3A_458] : memref<65536xi32, #tpu.memory_space<hbm>> -> memref<2048xi32, #tpu.memory_space<hbm>>
        %dma_start3A_463 = tpu.memref_slice %arg14[%rem3A_299] : memref<2x!tpu.dma_semaphore, #tpu.memory_space<semaphore_mem>> -> memref<1x!tpu.dma_semaphore, #tpu.memory_space<semaphore_mem>>
        %dma_start3A_464 = tpu.memref_squeeze %dma_start3A_463 : memref<1x!tpu.dma_semaphore, #tpu.memory_space<semaphore_mem>> -> memref<!tpu.dma_semaphore, #tpu.memory_space<semaphore_mem>>
        %dma_start3A_465 = arith.constant 0 : i32
        %dma_start3A_466 = tpu.memref_slice %arg12[%rem3A_299, %dma_start3A_465] : memref<2x2048xi32, #tpu.memory_space<vmem>> -> memref<1x2048xi32, #tpu.memory_space<vmem>>
        %dma_start3A_467 = tpu.memref_squeeze %dma_start3A_466 : memref<1x2048xi32, #tpu.memory_space<vmem>> -> memref<2048xi32, #tpu.memory_space<vmem>>
        %dma_start3A_468 = tpu.memref_slice %arg5[%add3A_458] : memref<65536xi32, #tpu.memory_space<hbm>> -> memref<2048xi32, #tpu.memory_space<hbm>>
        tpu.enqueue_dma source(%dma_start3A_468 : memref<2048xi32, #tpu.memory_space<hbm>>) target(%dma_start3A_467 : memref<2048xi32, #tpu.memory_space<vmem>>) target_semaphore(%dma_start3A_464 : memref<!tpu.dma_semaphore, #tpu.memory_space<semaphore_mem>>)
      } else {
      }
      %scan3A_419 = arith.constant 0 : i32
      scf.yield %scan3A_419 : i32
    }
    %scan3A_144 = arith.constant 8 : i32
    %dma_wait3A_145 = arith.constant 0 : i32
    %dma_wait3A_146 = arith.constant 0 : i32
    %dma_wait3A_147 = arith.constant 0 : i32
    %dma_wait3A_148 = arith.constant 0 : i32
    %dma_wait3A_149 = arith.constant 0 : i32
    %dma_wait3A_150 = arith.constant 0 : i32
    %dma_wait3A_151 = tpu.memref_slice %arg13[%dma_wait3A_147, %dma_wait3A_148, %dma_wait3A_150] : memref<2x4x2048xf32, #tpu.memory_space<vmem>> -> memref<1x1x2048xf32, #tpu.memory_space<vmem>>
    %dma_wait3A_152 = tpu.memref_squeeze %dma_wait3A_151 : memref<1x1x2048xf32, #tpu.memory_space<vmem>> -> memref<2048xf32, #tpu.memory_space<vmem>>
    %dma_wait3A_153 = arith.constant 0 : i32
    %dma_wait3A_154 = tpu.memref_slice %arg6[%dma_wait3A_145, %dma_wait3A_146, %dma_wait3A_153] : memref<4x16x32768xf32, #tpu.memory_space<hbm>> -> memref<1x1x2048xf32, #tpu.memory_space<hbm>>
    %dma_wait3A_155 = tpu.memref_squeeze %dma_wait3A_154 : memref<1x1x2048xf32, #tpu.memory_space<hbm>> -> memref<2048xf32, #tpu.memory_space<hbm>>
    %dma_wait3A_156 = tpu.memref_slice %arg15[%dma_wait3A_149] : memref<2x!tpu.dma_semaphore, #tpu.memory_space<semaphore_mem>> -> memref<1x!tpu.dma_semaphore, #tpu.memory_space<semaphore_mem>>
    %dma_wait3A_157 = tpu.memref_squeeze %dma_wait3A_156 : memref<1x!tpu.dma_semaphore, #tpu.memory_space<semaphore_mem>> -> memref<!tpu.dma_semaphore, #tpu.memory_space<semaphore_mem>>
    %dma_wait3A_158 = arith.constant 0 : i32
    %dma_wait3A_159 = tpu.memref_slice %arg13[%dma_wait3A_147, %dma_wait3A_148, %dma_wait3A_158] : memref<2x4x2048xf32, #tpu.memory_space<vmem>> -> memref<1x1x2048xf32, #tpu.memory_space<vmem>>
    %dma_wait3A_160 = tpu.memref_squeeze %dma_wait3A_159 : memref<1x1x2048xf32, #tpu.memory_space<vmem>> -> memref<2048xf32, #tpu.memory_space<vmem>>
    %dma_wait3A_161 = arith.constant 0 : i32
    %dma_wait3A_162 = tpu.memref_slice %arg6[%dma_wait3A_145, %dma_wait3A_146, %dma_wait3A_161] : memref<4x16x32768xf32, #tpu.memory_space<hbm>> -> memref<1x1x2048xf32, #tpu.memory_space<hbm>>
    %dma_wait3A_163 = tpu.memref_squeeze %dma_wait3A_162 : memref<1x1x2048xf32, #tpu.memory_space<hbm>> -> memref<2048xf32, #tpu.memory_space<hbm>>
    tpu.wait_dma2 semaphore(%dma_wait3A_157 : memref<!tpu.dma_semaphore, #tpu.memory_space<semaphore_mem>>) src(%dma_wait3A_163 : memref<2048xf32, #tpu.memory_space<hbm>>) dst(%dma_wait3A_160 : memref<2048xf32, #tpu.memory_space<vmem>>)
    %dma_wait3A_164 = arith.constant 0 : i32
    %dma_wait3A_165 = arith.constant 0 : i32
    %dma_wait3A_166 = arith.constant 0 : i32
    %dma_wait3A_167 = arith.constant 1 : i32
    %dma_wait3A_168 = arith.constant 0 : i32
    %dma_wait3A_169 = arith.constant 0 : i32
    %dma_wait3A_170 = tpu.memref_slice %arg13[%dma_wait3A_166, %dma_wait3A_167, %dma_wait3A_169] : memref<2x4x2048xf32, #tpu.memory_space<vmem>> -> memref<1x1x2048xf32, #tpu.memory_space<vmem>>
    %dma_wait3A_171 = tpu.memref_squeeze %dma_wait3A_170 : memref<1x1x2048xf32, #tpu.memory_space<vmem>> -> memref<2048xf32, #tpu.memory_space<vmem>>
    %dma_wait3A_172 = arith.constant 0 : i32
    %dma_wait3A_173 = tpu.memref_slice %arg6[%dma_wait3A_164, %dma_wait3A_165, %dma_wait3A_172] : memref<4x16x32768xf32, #tpu.memory_space<hbm>> -> memref<1x1x2048xf32, #tpu.memory_space<hbm>>
    %dma_wait3A_174 = tpu.memref_squeeze %dma_wait3A_173 : memref<1x1x2048xf32, #tpu.memory_space<hbm>> -> memref<2048xf32, #tpu.memory_space<hbm>>
    %dma_wait3A_175 = tpu.memref_slice %arg15[%dma_wait3A_168] : memref<2x!tpu.dma_semaphore, #tpu.memory_space<semaphore_mem>> -> memref<1x!tpu.dma_semaphore, #tpu.memory_space<semaphore_mem>>
    %dma_wait3A_176 = tpu.memref_squeeze %dma_wait3A_175 : memref<1x!tpu.dma_semaphore, #tpu.memory_space<semaphore_mem>> -> memref<!tpu.dma_semaphore, #tpu.memory_space<semaphore_mem>>
    %dma_wait3A_177 = arith.constant 0 : i32
    %dma_wait3A_178 = tpu.memref_slice %arg13[%dma_wait3A_166, %dma_wait3A_167, %dma_wait3A_177] : memref<2x4x2048xf32, #tpu.memory_space<vmem>> -> memref<1x1x2048xf32, #tpu.memory_space<vmem>>
    %dma_wait3A_179 = tpu.memref_squeeze %dma_wait3A_178 : memref<1x1x2048xf32, #tpu.memory_space<vmem>> -> memref<2048xf32, #tpu.memory_space<vmem>>
    %dma_wait3A_180 = arith.constant 0 : i32
    %dma_wait3A_181 = tpu.memref_slice %arg6[%dma_wait3A_164, %dma_wait3A_165, %dma_wait3A_180] : memref<4x16x32768xf32, #tpu.memory_space<hbm>> -> memref<1x1x2048xf32, #tpu.memory_space<hbm>>
    %dma_wait3A_182 = tpu.memref_squeeze %dma_wait3A_181 : memref<1x1x2048xf32, #tpu.memory_space<hbm>> -> memref<2048xf32, #tpu.memory_space<hbm>>
    tpu.wait_dma2 semaphore(%dma_wait3A_176 : memref<!tpu.dma_semaphore, #tpu.memory_space<semaphore_mem>>) src(%dma_wait3A_182 : memref<2048xf32, #tpu.memory_space<hbm>>) dst(%dma_wait3A_179 : memref<2048xf32, #tpu.memory_space<vmem>>)
    %dma_wait3A_183 = arith.constant 0 : i32
    %dma_wait3A_184 = arith.constant 0 : i32
    %dma_wait3A_185 = arith.constant 0 : i32
    %dma_wait3A_186 = arith.constant 2 : i32
    %dma_wait3A_187 = arith.constant 0 : i32
    %dma_wait3A_188 = arith.constant 0 : i32
    %dma_wait3A_189 = tpu.memref_slice %arg13[%dma_wait3A_185, %dma_wait3A_186, %dma_wait3A_188] : memref<2x4x2048xf32, #tpu.memory_space<vmem>> -> memref<1x1x2048xf32, #tpu.memory_space<vmem>>
    %dma_wait3A_190 = tpu.memref_squeeze %dma_wait3A_189 : memref<1x1x2048xf32, #tpu.memory_space<vmem>> -> memref<2048xf32, #tpu.memory_space<vmem>>
    %dma_wait3A_191 = arith.constant 0 : i32
    %dma_wait3A_192 = tpu.memref_slice %arg6[%dma_wait3A_183, %dma_wait3A_184, %dma_wait3A_191] : memref<4x16x32768xf32, #tpu.memory_space<hbm>> -> memref<1x1x2048xf32, #tpu.memory_space<hbm>>
    %dma_wait3A_193 = tpu.memref_squeeze %dma_wait3A_192 : memref<1x1x2048xf32, #tpu.memory_space<hbm>> -> memref<2048xf32, #tpu.memory_space<hbm>>
    %dma_wait3A_194 = tpu.memref_slice %arg15[%dma_wait3A_187] : memref<2x!tpu.dma_semaphore, #tpu.memory_space<semaphore_mem>> -> memref<1x!tpu.dma_semaphore, #tpu.memory_space<semaphore_mem>>
    %dma_wait3A_195 = tpu.memref_squeeze %dma_wait3A_194 : memref<1x!tpu.dma_semaphore, #tpu.memory_space<semaphore_mem>> -> memref<!tpu.dma_semaphore, #tpu.memory_space<semaphore_mem>>
    %dma_wait3A_196 = arith.constant 0 : i32
    %dma_wait3A_197 = tpu.memref_slice %arg13[%dma_wait3A_185, %dma_wait3A_186, %dma_wait3A_196] : memref<2x4x2048xf32, #tpu.memory_space<vmem>> -> memref<1x1x2048xf32, #tpu.memory_space<vmem>>
    %dma_wait3A_198 = tpu.memref_squeeze %dma_wait3A_197 : memref<1x1x2048xf32, #tpu.memory_space<vmem>> -> memref<2048xf32, #tpu.memory_space<vmem>>
    %dma_wait3A_199 = arith.constant 0 : i32
    %dma_wait3A_200 = tpu.memref_slice %arg6[%dma_wait3A_183, %dma_wait3A_184, %dma_wait3A_199] : memref<4x16x32768xf32, #tpu.memory_space<hbm>> -> memref<1x1x2048xf32, #tpu.memory_space<hbm>>
    %dma_wait3A_201 = tpu.memref_squeeze %dma_wait3A_200 : memref<1x1x2048xf32, #tpu.memory_space<hbm>> -> memref<2048xf32, #tpu.memory_space<hbm>>
    tpu.wait_dma2 semaphore(%dma_wait3A_195 : memref<!tpu.dma_semaphore, #tpu.memory_space<semaphore_mem>>) src(%dma_wait3A_201 : memref<2048xf32, #tpu.memory_space<hbm>>) dst(%dma_wait3A_198 : memref<2048xf32, #tpu.memory_space<vmem>>)
    %dma_wait3A_202 = arith.constant 0 : i32
    %dma_wait3A_203 = arith.constant 0 : i32
    %dma_wait3A_204 = arith.constant 0 : i32
    %dma_wait3A_205 = arith.constant 3 : i32
    %dma_wait3A_206 = arith.constant 0 : i32
    %dma_wait3A_207 = arith.constant 0 : i32
    %dma_wait3A_208 = tpu.memref_slice %arg13[%dma_wait3A_204, %dma_wait3A_205, %dma_wait3A_207] : memref<2x4x2048xf32, #tpu.memory_space<vmem>> -> memref<1x1x2048xf32, #tpu.memory_space<vmem>>
    %dma_wait3A_209 = tpu.memref_squeeze %dma_wait3A_208 : memref<1x1x2048xf32, #tpu.memory_space<vmem>> -> memref<2048xf32, #tpu.memory_space<vmem>>
    %dma_wait3A_210 = arith.constant 0 : i32
    %dma_wait3A_211 = tpu.memref_slice %arg6[%dma_wait3A_202, %dma_wait3A_203, %dma_wait3A_210] : memref<4x16x32768xf32, #tpu.memory_space<hbm>> -> memref<1x1x2048xf32, #tpu.memory_space<hbm>>
    %dma_wait3A_212 = tpu.memref_squeeze %dma_wait3A_211 : memref<1x1x2048xf32, #tpu.memory_space<hbm>> -> memref<2048xf32, #tpu.memory_space<hbm>>
    %dma_wait3A_213 = tpu.memref_slice %arg15[%dma_wait3A_206] : memref<2x!tpu.dma_semaphore, #tpu.memory_space<semaphore_mem>> -> memref<1x!tpu.dma_semaphore, #tpu.memory_space<semaphore_mem>>
    %dma_wait3A_214 = tpu.memref_squeeze %dma_wait3A_213 : memref<1x!tpu.dma_semaphore, #tpu.memory_space<semaphore_mem>> -> memref<!tpu.dma_semaphore, #tpu.memory_space<semaphore_mem>>
    %dma_wait3A_215 = arith.constant 0 : i32
    %dma_wait3A_216 = tpu.memref_slice %arg13[%dma_wait3A_204, %dma_wait3A_205, %dma_wait3A_215] : memref<2x4x2048xf32, #tpu.memory_space<vmem>> -> memref<1x1x2048xf32, #tpu.memory_space<vmem>>
    %dma_wait3A_217 = tpu.memref_squeeze %dma_wait3A_216 : memref<1x1x2048xf32, #tpu.memory_space<vmem>> -> memref<2048xf32, #tpu.memory_space<vmem>>
    %dma_wait3A_218 = arith.constant 0 : i32
    %dma_wait3A_219 = tpu.memref_slice %arg6[%dma_wait3A_202, %dma_wait3A_203, %dma_wait3A_218] : memref<4x16x32768xf32, #tpu.memory_space<hbm>> -> memref<1x1x2048xf32, #tpu.memory_space<hbm>>
    %dma_wait3A_220 = tpu.memref_squeeze %dma_wait3A_219 : memref<1x1x2048xf32, #tpu.memory_space<hbm>> -> memref<2048xf32, #tpu.memory_space<hbm>>
    tpu.wait_dma2 semaphore(%dma_wait3A_214 : memref<!tpu.dma_semaphore, #tpu.memory_space<semaphore_mem>>) src(%dma_wait3A_220 : memref<2048xf32, #tpu.memory_space<hbm>>) dst(%dma_wait3A_217 : memref<2048xf32, #tpu.memory_space<vmem>>)
    %dma_wait3A_221 = arith.constant 0 : i32
    %dma_wait3A_222 = arith.constant 0 : i32
    %dma_wait3A_223 = arith.constant 1 : i32
    %dma_wait3A_224 = arith.constant 0 : i32
    %dma_wait3A_225 = arith.constant 1 : i32
    %dma_wait3A_226 = arith.constant 0 : i32
    %dma_wait3A_227 = tpu.memref_slice %arg13[%dma_wait3A_223, %dma_wait3A_224, %dma_wait3A_226] : memref<2x4x2048xf32, #tpu.memory_space<vmem>> -> memref<1x1x2048xf32, #tpu.memory_space<vmem>>
    %dma_wait3A_228 = tpu.memref_squeeze %dma_wait3A_227 : memref<1x1x2048xf32, #tpu.memory_space<vmem>> -> memref<2048xf32, #tpu.memory_space<vmem>>
    %dma_wait3A_229 = arith.constant 0 : i32
    %dma_wait3A_230 = tpu.memref_slice %arg6[%dma_wait3A_221, %dma_wait3A_222, %dma_wait3A_229] : memref<4x16x32768xf32, #tpu.memory_space<hbm>> -> memref<1x1x2048xf32, #tpu.memory_space<hbm>>
    %dma_wait3A_231 = tpu.memref_squeeze %dma_wait3A_230 : memref<1x1x2048xf32, #tpu.memory_space<hbm>> -> memref<2048xf32, #tpu.memory_space<hbm>>
    %dma_wait3A_232 = tpu.memref_slice %arg15[%dma_wait3A_225] : memref<2x!tpu.dma_semaphore, #tpu.memory_space<semaphore_mem>> -> memref<1x!tpu.dma_semaphore, #tpu.memory_space<semaphore_mem>>
    %dma_wait3A_233 = tpu.memref_squeeze %dma_wait3A_232 : memref<1x!tpu.dma_semaphore, #tpu.memory_space<semaphore_mem>> -> memref<!tpu.dma_semaphore, #tpu.memory_space<semaphore_mem>>
    %dma_wait3A_234 = arith.constant 0 : i32
    %dma_wait3A_235 = tpu.memref_slice %arg13[%dma_wait3A_223, %dma_wait3A_224, %dma_wait3A_234] : memref<2x4x2048xf32, #tpu.memory_space<vmem>> -> memref<1x1x2048xf32, #tpu.memory_space<vmem>>
    %dma_wait3A_236 = tpu.memref_squeeze %dma_wait3A_235 : memref<1x1x2048xf32, #tpu.memory_space<vmem>> -> memref<2048xf32, #tpu.memory_space<vmem>>
    %dma_wait3A_237 = arith.constant 0 : i32
    %dma_wait3A_238 = tpu.memref_slice %arg6[%dma_wait3A_221, %dma_wait3A_222, %dma_wait3A_237] : memref<4x16x32768xf32, #tpu.memory_space<hbm>> -> memref<1x1x2048xf32, #tpu.memory_space<hbm>>
    %dma_wait3A_239 = tpu.memref_squeeze %dma_wait3A_238 : memref<1x1x2048xf32, #tpu.memory_space<hbm>> -> memref<2048xf32, #tpu.memory_space<hbm>>
    tpu.wait_dma2 semaphore(%dma_wait3A_233 : memref<!tpu.dma_semaphore, #tpu.memory_space<semaphore_mem>>) src(%dma_wait3A_239 : memref<2048xf32, #tpu.memory_space<hbm>>) dst(%dma_wait3A_236 : memref<2048xf32, #tpu.memory_space<vmem>>)
    %dma_wait3A_240 = arith.constant 0 : i32
    %dma_wait3A_241 = arith.constant 0 : i32
    %dma_wait3A_242 = arith.constant 1 : i32
    %dma_wait3A_243 = arith.constant 1 : i32
    %dma_wait3A_244 = arith.constant 1 : i32
    %dma_wait3A_245 = arith.constant 0 : i32
    %dma_wait3A_246 = tpu.memref_slice %arg13[%dma_wait3A_242, %dma_wait3A_243, %dma_wait3A_245] : memref<2x4x2048xf32, #tpu.memory_space<vmem>> -> memref<1x1x2048xf32, #tpu.memory_space<vmem>>
    %dma_wait3A_247 = tpu.memref_squeeze %dma_wait3A_246 : memref<1x1x2048xf32, #tpu.memory_space<vmem>> -> memref<2048xf32, #tpu.memory_space<vmem>>
    %dma_wait3A_248 = arith.constant 0 : i32
    %dma_wait3A_249 = tpu.memref_slice %arg6[%dma_wait3A_240, %dma_wait3A_241, %dma_wait3A_248] : memref<4x16x32768xf32, #tpu.memory_space<hbm>> -> memref<1x1x2048xf32, #tpu.memory_space<hbm>>
    %dma_wait3A_250 = tpu.memref_squeeze %dma_wait3A_249 : memref<1x1x2048xf32, #tpu.memory_space<hbm>> -> memref<2048xf32, #tpu.memory_space<hbm>>
    %dma_wait3A_251 = tpu.memref_slice %arg15[%dma_wait3A_244] : memref<2x!tpu.dma_semaphore, #tpu.memory_space<semaphore_mem>> -> memref<1x!tpu.dma_semaphore, #tpu.memory_space<semaphore_mem>>
    %dma_wait3A_252 = tpu.memref_squeeze %dma_wait3A_251 : memref<1x!tpu.dma_semaphore, #tpu.memory_space<semaphore_mem>> -> memref<!tpu.dma_semaphore, #tpu.memory_space<semaphore_mem>>
    %dma_wait3A_253 = arith.constant 0 : i32
    %dma_wait3A_254 = tpu.memref_slice %arg13[%dma_wait3A_242, %dma_wait3A_243, %dma_wait3A_253] : memref<2x4x2048xf32, #tpu.memory_space<vmem>> -> memref<1x1x2048xf32, #tpu.memory_space<vmem>>
    %dma_wait3A_255 = tpu.memref_squeeze %dma_wait3A_254 : memref<1x1x2048xf32, #tpu.memory_space<vmem>> -> memref<2048xf32, #tpu.memory_space<vmem>>
    %dma_wait3A_256 = arith.constant 0 : i32
    %dma_wait3A_257 = tpu.memref_slice %arg6[%dma_wait3A_240, %dma_wait3A_241, %dma_wait3A_256] : memref<4x16x32768xf32, #tpu.memory_space<hbm>> -> memref<1x1x2048xf32, #tpu.memory_space<hbm>>
    %dma_wait3A_258 = tpu.memref_squeeze %dma_wait3A_257 : memref<1x1x2048xf32, #tpu.memory_space<hbm>> -> memref<2048xf32, #tpu.memory_space<hbm>>
    tpu.wait_dma2 semaphore(%dma_wait3A_252 : memref<!tpu.dma_semaphore, #tpu.memory_space<semaphore_mem>>) src(%dma_wait3A_258 : memref<2048xf32, #tpu.memory_space<hbm>>) dst(%dma_wait3A_255 : memref<2048xf32, #tpu.memory_space<vmem>>)
    %dma_wait3A_259 = arith.constant 0 : i32
    %dma_wait3A_260 = arith.constant 0 : i32
    %dma_wait3A_261 = arith.constant 1 : i32
    %dma_wait3A_262 = arith.constant 2 : i32
    %dma_wait3A_263 = arith.constant 1 : i32
    %dma_wait3A_264 = arith.constant 0 : i32
    %dma_wait3A_265 = tpu.memref_slice %arg13[%dma_wait3A_261, %dma_wait3A_262, %dma_wait3A_264] : memref<2x4x2048xf32, #tpu.memory_space<vmem>> -> memref<1x1x2048xf32, #tpu.memory_space<vmem>>
    %dma_wait3A_266 = tpu.memref_squeeze %dma_wait3A_265 : memref<1x1x2048xf32, #tpu.memory_space<vmem>> -> memref<2048xf32, #tpu.memory_space<vmem>>
    %dma_wait3A_267 = arith.constant 0 : i32
    %dma_wait3A_268 = tpu.memref_slice %arg6[%dma_wait3A_259, %dma_wait3A_260, %dma_wait3A_267] : memref<4x16x32768xf32, #tpu.memory_space<hbm>> -> memref<1x1x2048xf32, #tpu.memory_space<hbm>>
    %dma_wait3A_269 = tpu.memref_squeeze %dma_wait3A_268 : memref<1x1x2048xf32, #tpu.memory_space<hbm>> -> memref<2048xf32, #tpu.memory_space<hbm>>
    %dma_wait3A_270 = tpu.memref_slice %arg15[%dma_wait3A_263] : memref<2x!tpu.dma_semaphore, #tpu.memory_space<semaphore_mem>> -> memref<1x!tpu.dma_semaphore, #tpu.memory_space<semaphore_mem>>
    %dma_wait3A_271 = tpu.memref_squeeze %dma_wait3A_270 : memref<1x!tpu.dma_semaphore, #tpu.memory_space<semaphore_mem>> -> memref<!tpu.dma_semaphore, #tpu.memory_space<semaphore_mem>>
    %dma_wait3A_272 = arith.constant 0 : i32
    %dma_wait3A_273 = tpu.memref_slice %arg13[%dma_wait3A_261, %dma_wait3A_262, %dma_wait3A_272] : memref<2x4x2048xf32, #tpu.memory_space<vmem>> -> memref<1x1x2048xf32, #tpu.memory_space<vmem>>
    %dma_wait3A_274 = tpu.memref_squeeze %dma_wait3A_273 : memref<1x1x2048xf32, #tpu.memory_space<vmem>> -> memref<2048xf32, #tpu.memory_space<vmem>>
    %dma_wait3A_275 = arith.constant 0 : i32
    %dma_wait3A_276 = tpu.memref_slice %arg6[%dma_wait3A_259, %dma_wait3A_260, %dma_wait3A_275] : memref<4x16x32768xf32, #tpu.memory_space<hbm>> -> memref<1x1x2048xf32, #tpu.memory_space<hbm>>
    %dma_wait3A_277 = tpu.memref_squeeze %dma_wait3A_276 : memref<1x1x2048xf32, #tpu.memory_space<hbm>> -> memref<2048xf32, #tpu.memory_space<hbm>>
    tpu.wait_dma2 semaphore(%dma_wait3A_271 : memref<!tpu.dma_semaphore, #tpu.memory_space<semaphore_mem>>) src(%dma_wait3A_277 : memref<2048xf32, #tpu.memory_space<hbm>>) dst(%dma_wait3A_274 : memref<2048xf32, #tpu.memory_space<vmem>>)
    %dma_wait3A_278 = arith.constant 0 : i32
    %dma_wait3A_279 = arith.constant 0 : i32
    %dma_wait3A_280 = arith.constant 1 : i32
    %dma_wait3A_281 = arith.constant 3 : i32
    %dma_wait3A_282 = arith.constant 1 : i32
    %dma_wait3A_283 = arith.constant 0 : i32
    %dma_wait3A_284 = tpu.memref_slice %arg13[%dma_wait3A_280, %dma_wait3A_281, %dma_wait3A_283] : memref<2x4x2048xf32, #tpu.memory_space<vmem>> -> memref<1x1x2048xf32, #tpu.memory_space<vmem>>
    %dma_wait3A_285 = tpu.memref_squeeze %dma_wait3A_284 : memref<1x1x2048xf32, #tpu.memory_space<vmem>> -> memref<2048xf32, #tpu.memory_space<vmem>>
    %dma_wait3A_286 = arith.constant 0 : i32
    %dma_wait3A_287 = tpu.memref_slice %arg6[%dma_wait3A_278, %dma_wait3A_279, %dma_wait3A_286] : memref<4x16x32768xf32, #tpu.memory_space<hbm>> -> memref<1x1x2048xf32, #tpu.memory_space<hbm>>
    %dma_wait3A_288 = tpu.memref_squeeze %dma_wait3A_287 : memref<1x1x2048xf32, #tpu.memory_space<hbm>> -> memref<2048xf32, #tpu.memory_space<hbm>>
    %dma_wait3A_289 = tpu.memref_slice %arg15[%dma_wait3A_282] : memref<2x!tpu.dma_semaphore, #tpu.memory_space<semaphore_mem>> -> memref<1x!tpu.dma_semaphore, #tpu.memory_space<semaphore_mem>>
    %dma_wait3A_290 = tpu.memref_squeeze %dma_wait3A_289 : memref<1x!tpu.dma_semaphore, #tpu.memory_space<semaphore_mem>> -> memref<!tpu.dma_semaphore, #tpu.memory_space<semaphore_mem>>
    %dma_wait3A_291 = arith.constant 0 : i32
    %dma_wait3A_292 = tpu.memref_slice %arg13[%dma_wait3A_280, %dma_wait3A_281, %dma_wait3A_291] : memref<2x4x2048xf32, #tpu.memory_space<vmem>> -> memref<1x1x2048xf32, #tpu.memory_space<vmem>>
    %dma_wait3A_293 = tpu.memref_squeeze %dma_wait3A_292 : memref<1x1x2048xf32, #tpu.memory_space<vmem>> -> memref<2048xf32, #tpu.memory_space<vmem>>
    %dma_wait3A_294 = arith.constant 0 : i32
    %dma_wait3A_295 = tpu.memref_slice %arg6[%dma_wait3A_278, %dma_wait3A_279, %dma_wait3A_294] : memref<4x16x32768xf32, #tpu.memory_space<hbm>> -> memref<1x1x2048xf32, #tpu.memory_space<hbm>>
    %dma_wait3A_296 = tpu.memref_squeeze %dma_wait3A_295 : memref<1x1x2048xf32, #tpu.memory_space<hbm>> -> memref<2048xf32, #tpu.memory_space<hbm>>
    tpu.wait_dma2 semaphore(%dma_wait3A_290 : memref<!tpu.dma_semaphore, #tpu.memory_space<semaphore_mem>>) src(%dma_wait3A_296 : memref<2048xf32, #tpu.memory_space<hbm>>) dst(%dma_wait3A_293 : memref<2048xf32, #tpu.memory_space<vmem>>)
    return
  }
}

module attributes {stable_mosaic.version = 14 : i64} {
  func.func @_combine_body(%arg0: i32, %arg1: memref<4x16x8192xf32, #tpu.memory_space<vmem>>, %arg2: memref<1x1xf32, #tpu.memory_space<smem>>) attributes {dimension_semantics = [#tpu.dimension_semantics<arbitrary>], iteration_bounds = array<i64: 4>, scalar_prefetch = 0 : i64, scratch_operands = 0 : i64, tpu.core_type = #tpu.core_type<tc>, window_params = [{transform_indices = @transform_0, window_bounds = array<i64: 4, 16, 8192>}, {transform_indices = @transform_1, window_bounds = array<i64: 1, 1>}]} {
    %get3A = arith.constant 0 : index
    %get3A_0 = arith.constant 0 : index
    %get3A_1 = arith.constant 0 : index
    %get3A_2 = vector.load %arg1[%get3A, %get3A_0, %get3A_1] : memref<4x16x8192xf32, #tpu.memory_space<vmem>>, vector<4x16x8192xf32>
    %reduce_sum3A = arith.constant dense<0.000000e+00> : vector<4x8192xf32>
    %reduce_sum3A_3 = vector.multi_reduction <add>, %get3A_2, %reduce_sum3A [1] : vector<4x16x8192xf32> to vector<4x8192xf32>
    %mul3A = arith.mulf %reduce_sum3A_3, %reduce_sum3A_3 : vector<4x8192xf32>
    %slice3A = vector.extract_strided_slice %mul3A {offsets = [0, 0], sizes = [2, 8192], strides = [1, 1]} : vector<4x8192xf32> to vector<2x8192xf32>
    %reduce_sum3A_4 = vector.shape_cast %slice3A : vector<2x8192xf32> to vector<1x2x8192xf32>
    %reduce_sum3A_5 = arith.constant dense<0.000000e+00> : vector<1xf32>
    %reduce_sum3A_6 = vector.multi_reduction <add>, %reduce_sum3A_4, %reduce_sum3A_5 [1, 2] : vector<1x2x8192xf32> to vector<1xf32>
    %reduce_sum3A_7 = vector.shape_cast %reduce_sum3A_6 : vector<1xf32> to vector<1x1x1xf32>
    %reduce_sum3A_8 = vector.extract %reduce_sum3A_7[0, 0, 0] : f32 from vector<1x1x1xf32>
    %slice3A_9 = vector.extract_strided_slice %mul3A {offsets = [2, 0], sizes = [2, 8192], strides = [1, 1]} : vector<4x8192xf32> to vector<2x8192xf32>
    %reduce_sum3A_10 = vector.shape_cast %slice3A_9 : vector<2x8192xf32> to vector<1x2x8192xf32>
    %reduce_sum3A_11 = arith.constant dense<0.000000e+00> : vector<1xf32>
    %reduce_sum3A_12 = vector.multi_reduction <add>, %reduce_sum3A_10, %reduce_sum3A_11 [1, 2] : vector<1x2x8192xf32> to vector<1xf32>
    %reduce_sum3A_13 = vector.shape_cast %reduce_sum3A_12 : vector<1xf32> to vector<1x1x1xf32>
    %reduce_sum3A_14 = vector.extract %reduce_sum3A_13[0, 0, 0] : f32 from vector<1x1x1xf32>
    %sub3A = arith.subf %reduce_sum3A_8, %reduce_sum3A_14 : f32
    %eq3A = arith.constant 0 : i32
    %eq3A_15 = arith.cmpi eq, %arg0, %eq3A : i32
    %convert_element_type3A = arith.extui %eq3A_15 : i1 to i32
    %cond3A = arith.constant 0 : i32
    %cond3A_16 = arith.cmpi ne, %convert_element_type3A, %cond3A : i32
    scf.if %cond3A_16 {
      %swap3A = arith.constant 0 : index
      %swap3A_21 = arith.constant 0 : index
      %swap3A_22 = memref.load %arg2[%swap3A, %swap3A_21] : memref<1x1xf32, #tpu.memory_space<smem>>
      memref.store %sub3A, %arg2[%swap3A, %swap3A_21] : memref<1x1xf32, #tpu.memory_space<smem>>
    } else {
    }
    %ne3A = arith.constant 0 : i32
    %ne3A_17 = arith.cmpi ne, %arg0, %ne3A : i32
    %convert_element_type3A_18 = arith.extui %ne3A_17 : i1 to i32
    %cond3A_19 = arith.constant 0 : i32
    %cond3A_20 = arith.cmpi ne, %convert_element_type3A_18, %cond3A_19 : i32
    scf.if %cond3A_20 {
      %get3A_21 = arith.constant 0 : index
      %get3A_22 = arith.constant 0 : index
      %get3A_23 = memref.load %arg2[%get3A_21, %get3A_22] : memref<1x1xf32, #tpu.memory_space<smem>>
      %add3A = arith.addf %get3A_23, %sub3A : f32
      %swap3A = arith.constant 0 : index
      %swap3A_24 = arith.constant 0 : index
      %swap3A_25 = memref.load %arg2[%swap3A, %swap3A_24] : memref<1x1xf32, #tpu.memory_space<smem>>
      memref.store %add3A, %arg2[%swap3A, %swap3A_24] : memref<1x1xf32, #tpu.memory_space<smem>>
    } else {
    }
    return
  }
  func.func @transform_0(%arg0: i32) -> (i32, i32, i32) {
    %c0_i32 = arith.constant 0 : i32
    %c0_i32_0 = arith.constant 0 : i32
    %c0_i32_1 = arith.constant 0 : i32
    return %c0_i32, %c0_i32_0, %arg0 : i32, i32, i32
  }
  func.func @transform_1(%arg0: i32) -> (i32, i32) {
    %c0_i32 = arith.constant 0 : i32
    %c0_i32_0 = arith.constant 0 : i32
    %c0_i32_1 = arith.constant 0 : i32
    return %c0_i32, %c0_i32_0 : i32, i32
  }
}

</mosaic_0001>

<sc_bundles>
// kernel: kernel.4.cloned.1.call-start
scs
__scs_entry_jumppad:
0x0: {  	(pc) =	sbr.rel $0x88, $3  }
0x1: {  	(tag) =	ssettag $0x0;
	lr =	simm.s32 $0x1  }
0x2: {  	[smem:$0x3F9D] =	sst lr;
	_ =	strace $0xD0000000  }
0x3: {  	_ = 	snop  }
0x4: {  	_ = 	snop  }
0x5: {  	_ = 	snop  }
0x6: {  	_ = 	snop  }
0x7: {  	_ = 	snop  }
__scs_overlays_trampoline_lowered:
0x8: {  	[smem:$0x3FAC] =	sst s0  }
0x9: {  	[smem:$0x3FAD] =	sst s1  }
0xa: {  	[smem:$0x3FAE] =	sst s2  }
0xb: {  	[smem:$0x3FAF] =	sst s3  }
0xc: {  	[smem:$0x3FB0] =	sst s4  }
0xd: {  	[smem:$0x3FB1] =	sst s5  }
0xe: {  	[smem:$0x3FB2] =	sst s6  }
0xf: {  	[smem:$0x3FB3] =	sst s7  }
0x10: {  	[smem:$0x3FB4] =	sst s8  }
0x11: {  	[smem:$0x3FB5] =	sst s9;
	s0 =	simm.s32 @!p0 $0x0  }
0x12: {  	s1 =	sld [smem:$0x3F9B];
	s0 =	simm.s32 @p0 $0x1  }
0x13: {  	[smem:$0x3FB6] =	sst s0;
	s0 =	simm.s32 @!p1 $0x0  }
0x14: {  	s2 =	sld [smem:$0x3F9A];
	s0 =	simm.s32 @p1 $0x1  }
0x15: {  	[smem:$0x3FB7] =	sst s0;
	s0 =	simm.s32 @!p2 $0x0  }
0x16: {  	s3 =	sld [smem:$0x3FDB];
	s0 =	simm.s32 @p2 $0x1  }
0x17: {  	s4 =	simm.s32 $0x1BF5;
	[smem:$0x3FB9] =	sst s0  }
0x18: {  	s0 =	sld [smem:$0x3F9C];
	_ =	swait.ge [sflag:s4], $0x0  }
0x19: {  	s7 =	sld [smem:$0x3F9D]  }
0x1a: {  	s8 =	sadd.s32 $0xFFFFE003, lr  }
0x1b: {  	s9 =	sadd.s32 $0xFFFFFEF7, lr;
	s5 =	simm.s32 $0xFFFFFFFF;
	p2 =	slt.u32 s8, $0xFFFFF086  }
0x1c: {  	p1 =	slt.u32 s9, $0xF7A;
	s5 =	simm.s32 @!p2 $0x0  }
0x1d: {  	s5 =	simm.s32 @p1 $0x1;
	p0 =	seq.s32 s7, s2  }
0x1e: {  	s7 =	smul.u32 @!p0 $0xF7A, s2;
	p2 =	seq.s32 @!p0 s5, $0x0  }
0x1f: {  	s9 =	smul.u32 $0xF7A, s1;
	s8 =	simm.s32 @!p0 $0x1BF5;
	p2 =	por !p2, p0  }
0x20: {  	[sflag:s8] =	ssyncset.s32 @!p0 $0xFFFFF086;
	s6 =	sadd.s32 @!p0 s3, s7;
	s7 =	simm.s32 @!p0 $0x108  }
0x21: {  	s3 =	sadd.s32 s3, s9;
	s6 =	sadd.s32 @!p0 $0x88, s6;
	s7 =	simm.s32 @p2 $0x1082  }
0x22: {  	[simem:s7], [sflag:s8] =	dma.local @!p0 [hbm:s6], $0xF7A  }
0x23: {  	s9 =	sor.u32 $0xD0000000, s2;
	s6 =	simm.s32 $0x108;
	_ =	swait.ge @!p0 [sflag:s8], $0x0  }
0x24: {  	s3 =	sadd.s32 $0x88, s3;
	s6 =	simm.s32 @!p1 $0x1082;
	[sflag:s4] =	ssyncset.s32 $0xFFFFF086  }
0x25: {  	[simem:s6], [sflag:s4] =	dma.local [hbm:s3], $0xF7A  }
0x26: {  	[smem:$0x3F9D] =	sst s1;
	(tag) =	ssettag s2;
	_ =	strace s9  }
0x27: {  	s1 =	sld [smem:$0x3FAD]  }
0x28: {  	s2 =	sld [smem:$0x3FAE]  }
0x29: {  	s4 =	sld [smem:$0x3FB0]  }
0x2a: {  	p0 =	seq.s32 s5, $0x0;
	s5 =	sld [smem:$0x3FB1]  }
0x2b: {  	s6 =	sld [smem:$0x3FB2]  }
0x2c: {  	s7 =	sld [smem:$0x3FB3]  }
0x2d: {  	s3 =	simm.s32 $0x108;
	s8 =	sld [smem:$0x3FB4]  }
0x2e: {  	s3 =	simm.s32 @!p0 $0x1082;
	s9 =	sld [smem:$0x3FB5]  }
0x2f: {  	lr =	sadd.s32 s0, s3;
	s0 =	sld [smem:$0x3FAC]  }
0x30: {  	s3 =	sld [smem:$0x3FAF]  }
0x31: {  	[smem:$0x3FB8] =	sst s10  }
0x32: {  	s10 =	sld [smem:$0x3FB6];
	_ =	sdelay $0x3  }
0x33: {  	p0 =	seq.s32 s10, $0x1;
	s10 =	sld [smem:$0x3FB8];
	_ =	sdelay $0x3  }
0x34: {  	[smem:$0x3FB8] =	sst s10  }
0x35: {  	s10 =	sld [smem:$0x3FB7];
	_ =	sdelay $0x3  }
0x36: {  	p1 =	seq.s32 s10, $0x1;
	s10 =	sld [smem:$0x3FB8];
	_ =	sdelay $0x3  }
0x37: {  	[smem:$0x3FB8] =	sst s10  }
0x38: {  	s10 =	sld [smem:$0x3FB9]  }
0x39: {  	_ = 	snop;
	(pc) =	sbr.ind lr, $3  }
0x3a: {  	_ = 	snop  }
0x3b: {  	_ = 	snop  }
0x3c: {  	p2 =	seq.s32 s10, $0x1;
	s10 =	sld [smem:$0x3FB8]  }
0x3d: {  	_ =	shalt  }
0x3e: {  	_ =	shalt  }
0x3f: {  	_ =	shalt  }
0x40: {  	_ =	shalt  }
0x41: {  	_ =	shalt  }
0x42: {  	_ =	shalt  }
0x43: {  	_ =	shalt  }
0x44: {  	_ =	shalt  }
0x45: {  	_ =	shalt  }
0x46: {  	_ =	shalt  }
0x47: {  	_ =	shalt  }
0x48: {  	_ =	shalt  }
0x49: {  	_ =	shalt  }
0x4a: {  	_ =	shalt  }
0x4b: {  	_ =	shalt  }
0x4c: {  	_ =	shalt  }
0x4d: {  	_ =	shalt  }
0x4e: {  	_ =	shalt  }
0x4f: {  	_ =	shalt  }
0x50: {  	_ =	shalt  }
0x51: {  	_ =	shalt  }
0x52: {  	_ =	shalt  }
0x53: {  	_ =	shalt  }
0x54: {  	_ =	shalt  }
0x55: {  	_ =	shalt  }
0x56: {  	_ =	shalt  }
0x57: {  	_ =	shalt  }
0x58: {  	_ =	shalt  }
0x59: {  	_ =	shalt  }
0x5a: {  	_ =	shalt  }
0x5b: {  	_ =	shalt  }
0x5c: {  	_ =	shalt  }
0x5d: {  	_ =	shalt  }
0x5e: {  	_ =	shalt  }
0x5f: {  	_ =	shalt  }
0x60: {  	_ =	shalt  }
0x61: {  	_ =	shalt  }
0x62: {  	_ =	shalt  }
0x63: {  	_ =	shalt  }
0x64: {  	_ =	shalt  }
0x65: {  	_ =	shalt  }
0x66: {  	_ =	shalt  }
0x67: {  	_ =	shalt  }
0x68: {  	_ =	shalt  }
0x69: {  	_ =	shalt  }
0x6a: {  	_ =	shalt  }
0x6b: {  	_ =	shalt  }
0x6c: {  	_ =	shalt  }
0x6d: {  	_ =	shalt  }
0x6e: {  	_ =	shalt  }
0x6f: {  	_ =	shalt  }
0x70: {  	_ =	shalt  }
0x71: {  	_ =	shalt  }
0x72: {  	_ =	shalt  }
0x73: {  	_ =	shalt  }
0x74: {  	_ =	shalt  }
0x75: {  	_ =	shalt  }
0x76: {  	_ =	shalt  }
0x77: {  	_ =	shalt  }
0x78: {  	_ =	shalt  }
0x79: {  	_ =	shalt  }
0x7a: {  	_ =	shalt  }
0x7b: {  	_ =	shalt  }
0x7c: {  	_ =	shalt  }
0x7d: {  	_ =	shalt  }
0x7e: {  	_ =	shalt  }
0x7f: {  	_ =	shalt  }
0x80: {  	_ =	shalt  }
0x81: {  	_ =	shalt  }
0x82: {  	_ =	shalt  }
0x83: {  	_ =	shalt  }
0x84: {  	_ =	shalt  }
0x85: {  	_ =	shalt  }
0x86: {  	_ =	shalt  }
0x87: {  	_ =	shalt  }
.Lfunc_end0:
.L_simem_size_0:
called_computation_lowered:
.L_overlay_start_0:
0x88: {  	s2 =	sld [smem:$0x3FD9]  }
0x89: {  	s3 =	sld [smem:$0x3FFE];
	_ =	sdelay $0x1  }
0x8a: {  	s1 =	srdreg.scid  }
0x8b: {  	s0 =	sand.u32 $0x1, s1  }
0x8c: {  	s17 =	sshll.u32 s0, $0xA;
	s2 =	sadd.s32 s3, s2  }
0x8d: {  	s2 =	sadd.s32 s2, s17  }
0x8e: {  	[smem:$0x3FC4] =	sst s2  }
0x8f: {  	_ = 	snop  }
0x90: {  	s2 =	sld [smem:$0x3FC7]  }
0x91: {  	s18 =	sld [smem:$0x3FC6];
	(tm) =	ssettm $0x1  }
0x92: {  	s4 =	sld [smem:$0x3FFB];
	_ =	sdelay $0x3  }
0x93: {  	_ =	strace s4  }
0x94: {  	s4 =	sld [smem:$0x3FFC];
	_ =	sdelay $0x3  }
0x95: {  	_ =	strace s4  }
0x96: {  	s4 =	sld [smem:$0x3FFD];
	_ =	sdelay $0x3  }
0x97: {  	_ =	strace s4  }
0x98: {  	_ =	strace $0x8FFFFFFF  }
0x99: {  	s19 =	sld [smem:$0x3FDB];
	_ =	sdelay $0x1  }
0x9a: {  	s5 =	simm.s32 $_scs_section_size  }
0x9b: {  	s6 =	simm.s32 $_size__tile_overlayer_lowered;
	s7 =	simm.s32 $_tile_overlayer_lowered  }
0x9c: {  	s22 =	simm.s32 $0x1BFF;
	s21 =	sshll.u32 s7, $0x1;
	s4 =	sadd.s32 s5, s19  }
0x9d: {  	s8 =	simm.s32 $0x0;
	s20 =	sshll.u32 s6, $0x1;
	s6 =	sadd.s32 s21, s4  }
0x9e: {  	[timem:s8], [sflag:s22] =	dma.local [hbm:s6], s20  }
0x9f: {  	_ =	swait.ge [sflag:s22], s20  }
0xa0: {  	s5 =	ssub.s32 $0x0, s20;
	[sflag:s22] =	ssyncset.done $0x0  }
0xa1: {  	[sflag:s22] =	ssyncadd.s32 s5;
	_ =	sdelay $0x1  }
0xa2: {  	s23 =	simm.s32 $0x1B8B  }
0xa3: {  	_ =	swait.ge [sflag:s23], $0x1  }
0xa4: {  	[sflag:s23] =	ssyncset.done $0x0  }
0xa5: {  	s25 =	simm.s32 $0x1B8E;
	s24 =	sld [smem:$0x3FFE];
	[sflag:s23] =	ssyncadd.s32 $0xFFFFFFFF  }
0xa6: {  	s26 =	simm.s32 $execute0_lowered;
	[smem:$0x3FD2] =	sst s25  }
0xa7: {  	s6 =	sshll.u32 s26, $0x1;
	_ =	strace $0x80000046;
	[dreg:$0x1] =	wrdreg $0xFFFFFFFF  }
0xa8: {  	s28 =	simm.s32 $_size_execute0_lowered;
	s4 =	sadd.s32 s4, s6;
	[dreg:$0x0] =	wrdreg $0x0  }
0xa9: {  	s6 =	sshll.u32 s28, $0x1;
	[dreg:$0x2] =	wrdreg s4  }
0xaa: {  	[dreg:$0x3] =	wrdreg s6  }
0xab: {  	[dreg:$0x4] =	wrdreg $0xC0  }
0xac: {  	_ =	task [dreg:s8], $0x5FFFF  }
0xad: {  	[dreg:$0x1] =	wrdreg $0xFFFFFFFF  }
0xae: {  	[dreg:$0x0] =	wrdreg $0x60  }
0xaf: {  	[dreg:$0x2] =	wrdreg s24  }
0xb0: {  	[dreg:$0x3] =	wrdreg s2  }
0xb1: {  	[dreg:$0x4] =	wrdreg s18  }
0xb2: {  	[dreg:$0x5] =	wrdreg $0x9  }
0xb3: {  	_ =	task.clear_ibuf [dreg:s8], $0x6FFFF;
	_ =	strace $0x90000046  }
0xb4: {  	s29 =	simm.s32 $0x9;
	_ =	strace $0x80000048  }
0xb5: {  	_ =	swait.ge [sflag:s29], $0x1  }
0xb6: {  	[sflag:s29] =	ssyncadd.s32 $0xFFFFFFFF  }
0xb7: {  	_ =	strace $0x90000048  }
0xb8: {  	_ =	sfence  }
0xb9: {  	s30 =	sld [smem:$0x0];
	_ =	sdelay $0x2  }
0xba: {  	s31 =	sshll.u32 s1, $0xD;
	s1 =	sshrl.u32 s1, $0x2  }
0xbb: {  	s3 =	sand.u32 $0x4000, s31;
	s1 =	sadd.s32 s1, s30  }
0xbc: {  	s0 =	sor.u32 s3, s0;
	s1 =	sshll.u32 s1, $0x11  }
0xbd: {  	s0 =	sor.u32 s1, s0  }
0xbe: {  	s0 =	sadd.s32 $0x8F2B, s0  }
0xbf: {  	[sflag:s0] =	ssyncadd.remote.s32 $0x1  }
0xc0: {  	_ =	sfence.sel $0xFFFF  }
0xc1: {  	[dreg:$0x0] =	wrdreg $0xFFFFFFFF;
	(pc) =	sbr.abs _section_cstart, $3  }
0xc2: {  	[dreg:$0x1] =	wrdreg $0xFFFFFFFF  }
0xc3: {  	_ =	task.clear_ibuf [dreg:s8], $0x2FFFF;
	_ =	strace $0x9FFFFFFF  }
0xc4: {  	(tm) =	ssettm $0x7FFFFFFF  }
0xc5: {  	_ =	shalt  }
tec
execute0_lowered:
.L_overlay_start_1:
0x0: {  	(tag) =	ssettag $0x1  }
0x1: {  	s0 =	rddreg [dreg:$0x0]  }
0x2: {  	s7 =	rddreg [dreg:$0x1]  }
0x3: {  	s8 =	rddreg [dreg:$0x2]  }
0x4: {  	s1 =	srdreg.scid;
	s4 =	simm.s32 $0x0;
	s9 =	stileid.u32  }
0x5: {  	s28 =	simm.s32 $0x2000;
	s29 =	simm.s32 $0xA000;
	s30 =	simm.s32 $0x3000  }
0x6: {  	s31 =	simm.s32 $0xB000;
	s10 =	simm.s32 $0x7000;
	s1 =	sand.u32 $0x1, s1  }
0x7: {  	[smem:$0x7FF] =	sst s4;
	s3 =	sshll.u32 s9, $0xC;
	s6 =	sadd.s32 $0x20600, s0  }
0x8: {  	s21 =	sshll.u32 s9, $0xF;
	s23 =	sadd.s32 $0x30600, s0;
	s24 =	sadd.s32 $0x40600, s0  }
0x9: {  	s9 =	simm.s32 $0xE000;
	_ =	strace $0x80000047;
	[dreg:$0x4] =	wrdreg s6  }
0xa: {  	s2 =	ssub.s32 $0x2, s1;
	s3 =	sadd.s32 s3, s0;
	[dreg:$0x10] =	wrdreg s23  }
0xb: {  	s11 =	sshll.u32 s1, $0xE;
	s1 =	sshll.u32 s1, $0xB;
	[dreg:$0x11] =	wrdreg s24  }
0xc: {  	s0 =	sadd.s32 $0x50600, s0;
	s6 =	simm.s32 $0x5000;
	s5 =	sshrl.u32 s2, $0x1  }
0xd: {  	s12 =	sadd.s32 $0x10600, s3;
	s3 =	sadd.s32 $0x600, s3;
	[dreg:$0x12] =	wrdreg s0  }
0xe: {  	s13 =	sadd.s32 s7, s1;
	s14 =	sor.u32 $0x1000, s1;
	[dreg:$0x5] =	wrdreg s12  }
0xf: {  	s16 =	sadd.s32 s8, s1;
	s17 =	sor.u32 $0x100, s1;
	[dreg:$0x6] =	wrdreg s3  }
0x10: {  	s1 =	sor.u32 $0x1100, s1;
	s22 =	sor.u32 s11, s21;
	[dreg:$0x7] =	wrdreg s13  }
0x11: {  	s25 =	sor.u32 $0x1000, s11;
	s0 =	simm.s32 $0x4000;
	[dreg:$0x9] =	wrdreg s16  }
0x12: {  	s11 =	simm.s32 $0xF000;
	s2 =	ssub.s32 s2, s5;
	[dreg:$0xf] =	wrdreg s22  }
0x13: {  	s15 =	sadd.s32 s7, s14;
	s3 =	sadd.s32 s8, s14;
	[dreg:$0x13] =	wrdreg s25  }
0x14: {  	s18 =	sadd.s32 s7, s17;
	s19 =	sadd.s32 s7, s1;
	[dreg:$0x8] =	wrdreg s15  }
0x15: {  	s20 =	sadd.s32 s8, s17;
	s1 =	sadd.s32 s8, s1;
	[dreg:$0xa] =	wrdreg s3  }
0x16: {  	s22 =	simm.s32 $0x8000;
	s5 =	simm.s32 $0x4;
	[dreg:$0xb] =	wrdreg s18  }
0x17: {  	s25 =	simm.s32 $0x1000;
	s7 =	simm.s32 $0xD000;
	[dreg:$0xc] =	wrdreg s19  }
0x18: {  	s8 =	simm.s32 $0x6000;
	s12 =	simm.s32 $0x0;
	[dreg:$0xd] =	wrdreg s20  }
0x19: {  	[dreg:$0xe] =	wrdreg s1;
	s26 =	smax.u32 s2, $0x1;
	s2 =	simm.s32 $0x3  }
0x1a: {  	v0 =	vimm.bf16 $0.0e+00;
	s3 =	simm.s32 $0xC000;
	[dreg:$0x14] =	wrdreg s26;
	s26 =	simm.s32 $0x9000  }
.LBB2_1:
0x1b: {  	[dreg:$0x15] =	wrdreg s12  }
0x1c: {  	s1 =	rddreg [dreg:$0x5]  }
0x1d: {  	[tilespmem:s4], [sflag:$0x3] =	stream.linear.gather [hbm4b:s1+s4], $0x8000, $0x38;
	[tilespmem:$0x18000] =	vst v63  }
0x1e: {  	s21 =	rddreg [dreg:$0x6]  }
0x1f: {  	[tilespmem:s22], [sflag:$0x4] =	stream.linear.gather [hbm4b:s21+s4], $0x8000, $0x38;
	[tilespmem:$0x18000] =	vst v63  }
0x20: {  	_ =	swait.ge [sflag:s2], $0x8000  }
0x21: {  	[sflag:s2] =	ssyncset.done $0x0  }
0x22: {  	[sflag:s2] =	ssyncadd.s32 $0xFFFF8000  }
0x23: {  	_ =	swait.ge [sflag:s5], $0x8000  }
0x24: {  	[sflag:s5] =	ssyncset.done $0x0  }
0x25: {  	s24 =	simm.s32 $0x10000;
	s23 =	rddreg [dreg:$0x7];
	[sflag:s5] =	ssyncadd.s32 $0xFFFF8000  }
0x26: {  	[tilespmem:s24], [sflag:$0x1] =	stream.linear.gather [hbm4b:s23+s4], $0x800, $0x38;
	[tilespmem:$0x18000] =	vst v63  }
0x27: {  	s2 =	rddreg [dreg:$0x8];
	s5 =	simm.s32 $0x11000  }
0x28: {  	[tilespmem:s5], [sflag:$0x1] =	stream.linear.gather [hbm4b:s2+s4], $0x800, $0x38;
	[tilespmem:$0x18000] =	vst v63  }
0x29: {  	s13 =	simm.s32 $0x12000;
	s12 =	rddreg [dreg:$0x9]  }
0x2a: {  	[tilespmem:s13], [sflag:$0x1] =	stream.linear.gather [hbm4b:s12+s4], $0x800, $0x38;
	[tilespmem:$0x18000] =	vst v63  }
0x2b: {  	s15 =	simm.s32 $0x13000;
	s14 =	rddreg [dreg:$0xa]  }
0x2c: {  	[tilespmem:s15], [sflag:$0x1] =	stream.linear.gather [hbm4b:s14+s4], $0x800, $0x38;
	[tilespmem:$0x18000] =	vst v63  }
0x2d: {  	s17 =	simm.s32 $0x10800;
	s16 =	rddreg [dreg:$0xb]  }
0x2e: {  	[tilespmem:s17], [sflag:$0x2] =	stream.linear.gather [hbm4b:s16+s4], $0x800, $0x38;
	[tilespmem:$0x18000] =	vst v63  }
0x2f: {  	s19 =	simm.s32 $0x11800;
	s18 =	rddreg [dreg:$0xc]  }
0x30: {  	[tilespmem:s19], [sflag:$0x2] =	stream.linear.gather [hbm4b:s18+s4], $0x800, $0x38;
	[tilespmem:$0x18000] =	vst v63  }
0x31: {  	p0 =	por $0x0, $0x0;
	s21 =	simm.s32 $0x12800;
	s20 =	rddreg [dreg:$0xd]  }
0x32: {  	[tilespmem:s21], [sflag:$0x2] =	stream.linear.gather [hbm4b:s20+s4], $0x800, $0x38;
	[tilespmem:$0x18000] =	vst v63  }
0x33: {  	s23 =	rddreg [dreg:$0xe];
	s24 =	simm.s32 $0x13800;
	s13 =	simm.s32 $0x0  }
0x34: {  	[tilespmem:s24], [sflag:$0x2] =	stream.linear.gather [hbm4b:s23+s4], $0x800, $0x38;
	[tilespmem:$0x18000] =	vst v63  }
.LBB2_2:
0x35: {  	s15 =	sand.u32 $0x1, s13  }
0x36: {  	s14 =	sadd.s32 $0x1, s15  }
0x37: {  	_ =	swait.ge [sflag:s14], $0x800  }
0x38: {  	[sflag:s14] =	ssyncset.done $0x0  }
0x39: {  	[sflag:s14] =	ssyncadd.s32 $0xFFFFF800  }
0x3a: {  	_ =	swait.ge [sflag:s14], $0x800  }
0x3b: {  	[sflag:s14] =	ssyncset.done $0x0  }
0x3c: {  	[sflag:s14] =	ssyncadd.s32 $0xFFFFF800  }
0x3d: {  	_ =	swait.ge [sflag:s14], $0x800  }
0x3e: {  	[sflag:s14] =	ssyncset.done $0x0  }
0x3f: {  	[sflag:s14] =	ssyncadd.s32 $0xFFFFF800  }
0x40: {  	_ =	swait.ge [sflag:s14], $0x800  }
0x41: {  	p1 =	slt.u32 s13, $0x2;
	[sflag:s14] =	ssyncset.done $0x0  }
0x42: {  	s5 =	sadd.s32 @!p1 $0x3, s15;
	[sflag:s14] =	ssyncadd.s32 $0xFFFFF800  }
0x43: {  	_ =	swait.ge @!p1 [sflag:s5], $0x800  }
0x44: {  	[sflag:s5] =	ssyncset.done @!p1 $0x0  }
0x45: {  	[sflag:s5] =	ssyncadd.s32 @!p1 $0xFFFFF800  }
0x46: {  	_ =	swait.ge @!p1 [sflag:s5], $0x800  }
0x47: {  	[sflag:s5] =	ssyncset.done @!p1 $0x0  }
0x48: {  	[sflag:s5] =	ssyncadd.s32 @!p1 $0xFFFFF800  }
0x49: {  	_ =	swait.ge @!p1 [sflag:s5], $0x800  }
0x4a: {  	s1 =	simm.s32 $0x1;
	[sflag:s5] =	ssyncset.done @!p1 $0x0  }
0x4b: {  	s1 =	simm.s32 @!p0 $0x0;
	[sflag:s5] =	ssyncadd.s32 @!p1 $0xFFFFF800  }
0x4c: {  	s2 =	sshll.u32 s1, $0xD;
	_ =	swait.ge @!p1 [sflag:s5], $0x800  }
0x4d: {  	s16 =	sshrl.u32 s2, $0x2;
	[sflag:s5] =	ssyncset.done @!p1 $0x0  }
0x4e: {  	s1 =	sor.u32 $0x10010, s16;
	[sflag:s5] =	ssyncadd.s32 @!p1 $0xFFFFF800  }
0x4f: {  	s21 =	sor.u32 $0x11010, s16;
	v1 =	vld [tilespmem:s1+$0x0]  }
0x50: {  	s12 =	sor.u32 $0x12010, s16;
	v2 =	vld [tilespmem:s21+$0x0]  }
0x51: {  	v6 =	vld [tilespmem:s12+$0x0];
	_ =	sdelay $0x1  }
0x52: {  	v4 =	vld [tilespmem:s21+$0xFFFFFFF0]  }
0x53: {  	v3 =	vld [tilespmem:s12+$0xFFFFFFF0]  }
0x54: {  	s23 =	sor.u32 $0x13010, s16;
	v5 =	vld [tilespmem:s1+$0xFFFFFFF0]  }
0x55: {  	v10 =	vld [tilespmem:s23+$0x0]  }
0x56: {  	v11 =	vld.idx.msk [tilespmem:v1+s10+$0x0], $0xffff  }
0x57: {  	v12 =	vld.idx.msk [tilespmem:v2+s10+$0x0], $0xffff  }
0x58: {  	v13 =	vld.idx.msk [tilespmem:v6+s11+$0x0], $0xffff  }
0x59: {  	v14 =	vld.idx.msk [tilespmem:v2+s4+$0x0], $0xffff  }
0x5a: {  	v15 =	vld.idx.msk [tilespmem:v6+s22+$0x0], $0xffff  }
0x5b: {  	v16 =	vld.idx.msk [tilespmem:v2+s25+$0x0], $0xffff  }
0x5c: {  	v17 =	vld.idx.msk [tilespmem:v6+s26+$0x0], $0xffff  }
0x5d: {  	v18 =	vld.idx.msk [tilespmem:v2+s28+$0x0], $0xffff  }
0x5e: {  	v19 =	vld.idx.msk [tilespmem:v6+s29+$0x0], $0xffff  }
0x5f: {  	v20 =	vld.idx.msk [tilespmem:v2+s30+$0x0], $0xffff  }
0x60: {  	v21 =	vld.idx.msk [tilespmem:v6+s31+$0x0], $0xffff  }
0x61: {  	v22 =	vld.idx.msk [tilespmem:v2+s0+$0x0], $0xffff  }
0x62: {  	v23 =	vld.idx.msk [tilespmem:v6+s3+$0x0], $0xffff  }
0x63: {  	v24 =	vld.idx.msk [tilespmem:v2+s6+$0x0], $0xffff  }
0x64: {  	v25 =	vld.idx.msk [tilespmem:v6+s7+$0x0], $0xffff  }
0x65: {  	v26 =	vld.idx.msk [tilespmem:v2+s8+$0x0], $0xffff  }
0x66: {  	v27 =	vld.idx.msk [tilespmem:v6+s9+$0x0], $0xffff  }
0x67: {  	v28 =	vld.idx.msk [tilespmem:v10+s11+$0x0], $0xffff  }
0x68: {  	v7 =	vld.idx.msk [tilespmem:v1+s8+$0x0], $0xffff;
	v2 =	vmul.bf16 v15, v14  }
0x69: {  	v8 =	vld.idx.msk [tilespmem:v10+s9+$0x0], $0xffff  }
0x6a: {  	v29 =	vld.idx.msk [tilespmem:v1+s6+$0x0], $0xffff;
	v6 =	vmul.bf16 v17, v16;
	v2 =	vadd.bf16 v0, v2  }
0x6b: {  	v30 =	vld.idx.msk [tilespmem:v10+s7+$0x0], $0xffff  }
0x6c: {  	v32 =	vld.idx.msk [tilespmem:v10+s3+$0x0], $0xffff;
	v2 =	vadd.bf16 v6, v2;
	v6 =	vmul.bf16 v19, v18  }
0x6d: {  	v33 =	vld.idx.msk [tilespmem:v1+s30+$0x0], $0xffff  }
0x6e: {  	v34 =	vld.idx.msk [tilespmem:v10+s31+$0x0], $0xffff;
	v2 =	vadd.bf16 v6, v2;
	v6 =	vmul.bf16 v21, v20  }
0x6f: {  	v36 =	vld.idx.msk [tilespmem:v10+s29+$0x0], $0xffff  }
0x70: {  	v38 =	vld.idx.msk [tilespmem:v10+s26+$0x0], $0xffff;
	v2 =	vadd.bf16 v6, v2;
	v6 =	vmul.bf16 v23, v22  }
0x71: {  	v39 =	vld.idx.msk [tilespmem:v1+s4+$0x0], $0xffff  }
0x72: {  	v10 =	vld.idx.msk [tilespmem:v10+s22+$0x0], $0xffff;
	v2 =	vadd.bf16 v6, v2;
	v6 =	vmul.bf16 v25, v24  }
0x73: {  	v37 =	vld.idx.msk [tilespmem:v1+s25+$0x0], $0xffff  }
0x74: {  	v31 =	vld.idx.msk [tilespmem:v1+s0+$0x0], $0xffff;
	v9 =	vmul.bf16 v12, v11;
	v2 =	vadd.bf16 v6, v2;
	v6 =	vmul.bf16 v27, v26  }
0x75: {  	v35 =	vld.idx.msk [tilespmem:v1+s28+$0x0], $0xffff;
	v12 =	vmul.bf16 v13, v12;
	v1 =	vmul.bf16 v28, v11  }
0x76: {  	v44 =	vld.idx.msk [tilespmem:v4+s4+$0x0], $0xffff;
	v43 =	vmul.bf16 v34, v33;
	v14 =	vmul.bf16 v14, v39;
	v2 =	vadd.bf16 v6, v2  }
0x77: {  	v45 =	vld.idx.msk [tilespmem:v3+s22+$0x0], $0xffff;
	v15 =	vmul.bf16 v10, v15;
	v10 =	vmul.bf16 v10, v39  }
0x78: {  	v16 =	vmul.bf16 v16, v37;
	v17 =	vmul.bf16 v38, v17;
	v11 =	vadd.bf16 v12, v2;
	v2 =	vld [tilespmem:s23+$0xFFFFFFF0]  }
0x79: {  	v46 =	vld.idx.msk [tilespmem:v4+s25+$0x0], $0xffff;
	v37 =	vmul.bf16 v38, v37;
	v14 =	vadd.bf16 v0, v14;
	v15 =	vadd.bf16 v0, v15  }
0x7a: {  	v47 =	vld.idx.msk [tilespmem:v3+s26+$0x0], $0xffff;
	v10 =	vadd.bf16 v0, v10;
	v18 =	vmul.bf16 v18, v35;
	v19 =	vmul.bf16 v36, v19  }
0x7b: {  	v48 =	vld.idx.msk [tilespmem:v5+s28+$0x0], $0xffff;
	v14 =	vadd.bf16 v16, v14;
	v35 =	vmul.bf16 v36, v35;
	v15 =	vadd.bf16 v17, v15  }
0x7c: {  	v51 =	vld.idx.msk [tilespmem:v4+s30+$0x0], $0xffff;
	v10 =	vadd.bf16 v37, v10;
	v20 =	vmul.bf16 v20, v33;
	v21 =	vmul.bf16 v34, v21  }
0x7d: {  	v14 =	vadd.bf16 v18, v14;
	v15 =	vadd.bf16 v19, v15;
	v19 =	vld.idx.msk [tilespmem:v4+s28+$0x0], $0xffff;
	v6 =	vmul.bf16 v28, v13  }
0x7e: {  	v13 =	vmul.bf16 v32, v23;
	v23 =	vld.idx.msk [tilespmem:v5+s4+$0x0], $0xffff;
	v42 =	vunpack.i.u.bf16.f32 v11;
	v11 =	vunpack.i.l.bf16.f32 v11  }
0x7f: {  	v10 =	vadd.bf16 v35, v10;
	v34 =	vmul.bf16 v47, v46;
	v28 =	vadd.f32 v11, v42;
	v11 =	vld.idx.msk [tilespmem:v5+s25+$0x0], $0xffff  }
0x80: {  	v14 =	vadd.bf16 v20, v14;
	v24 =	vmul.bf16 v24, v29;
	v12 =	vmul.bf16 v22, v31;
	v17 =	vld.idx.msk [tilespmem:v2+s22+$0x0], $0xffff  }
0x81: {  	v15 =	vadd.bf16 v21, v15;
	v22 =	vmul.bf16 v32, v31;
	v32 =	vmul.bf16 v45, v44;
	v18 =	vld.idx.msk [tilespmem:v2+s26+$0x0], $0xffff  }
0x82: {  	v58 =	vld.idx.msk [tilespmem:v5+s6+$0x0], $0xffff;
	v10 =	vadd.bf16 v43, v10;
	v25 =	vmul.bf16 v30, v25;
	v54 =	vmul.bf16 v19, v48  }
0x83: {  	v20 =	vld.idx.msk [tilespmem:v3+s29+$0x0], $0xffff;
	v26 =	vmul.bf16 v26, v7;
	v13 =	vadd.bf16 v13, v15;
	v32 =	vadd.bf16 v0, v32  }
0x84: {  	v12 =	vadd.bf16 v12, v14;
	v10 =	vadd.bf16 v22, v10;
	v16 =	vmul.bf16 v44, v23;
	v50 =	vld.idx.msk [tilespmem:v2+s29+$0x0], $0xffff  }
0x85: {  	v21 =	vld.idx.msk [tilespmem:v5+s30+$0x0], $0xffff;
	v25 =	vadd.bf16 v25, v13;
	v33 =	vmul.bf16 v17, v45;
	v17 =	vmul.bf16 v17, v23  }
0x86: {  	v14 =	vld.idx.msk [tilespmem:v5+s0+$0x0], $0xffff;
	v16 =	vadd.bf16 v0, v16;
	v49 =	vmul.bf16 v46, v11;
	v52 =	vmul.bf16 v18, v47  }
0x87: {  	v11 =	vmul.bf16 v18, v11;
	v18 =	vld.idx.msk [tilespmem:v3+s31+$0x0], $0xffff;
	v53 =	vadd.bf16 v0, v33;
	v17 =	vadd.bf16 v0, v17  }
0x88: {  	v19 =	vmul.bf16 v20, v19;
	v55 =	vld.idx.msk [tilespmem:v2+s31+$0x0], $0xffff;
	v16 =	vadd.bf16 v49, v16;
	v23 =	vadd.bf16 v34, v32  }
0x89: {  	v13 =	vld.idx.msk [tilespmem:v5+s8+$0x0], $0xffff;
	v15 =	vadd.bf16 v52, v53;
	v11 =	vadd.bf16 v11, v17;
	v17 =	vmul.bf16 v50, v20  }
0x8a: {  	v12 =	vadd.bf16 v24, v12;
	v16 =	vadd.bf16 v54, v16;
	v56 =	vmul.bf16 v50, v48;
	v20 =	vld.idx.msk [tilespmem:v4+s0+$0x0], $0xffff  }
0x8b: {  	v19 =	vadd.bf16 v19, v23;
	v23 =	vld.idx.msk [tilespmem:v3+s3+$0x0], $0xffff;
	v15 =	vadd.bf16 v17, v15;
	v17 =	vmul.bf16 v51, v21  }
0x8c: {  	v61 =	vadd.bf16 v26, v12;
	v57 =	vld.idx.msk [tilespmem:v2+s3+$0x0], $0xffff;
	v22 =	vmul.bf16 v18, v51;
	v11 =	vadd.bf16 v56, v11  }
0x8d: {  	v12 =	vld.idx.msk [tilespmem:v4+s8+$0x0], $0xffff;
	v16 =	vadd.bf16 v17, v16;
	v17 =	vmul.bf16 v55, v18;
	v18 =	vmul.bf16 v55, v21  }
0x8e: {  	v59 =	vmul.bf16 v30, v29;
	v19 =	vadd.bf16 v22, v19;
	v21 =	vld.idx.msk [tilespmem:v4+s6+$0x0], $0xffff  }
0x8f: {  	s17 =	sshll.u32 s15, $0xB;
	v22 =	vld.idx.msk [tilespmem:v3+s7+$0x0], $0xffff;
	v15 =	vadd.bf16 v17, v15;
	v17 =	vadd.bf16 v18, v11;
	v11 =	vmul.bf16 v20, v14  }
0x90: {  	s20 =	sor.u32 $0x10000, s17;
	v27 =	vmul.bf16 v8, v27;
	v60 =	vld.idx.msk [tilespmem:v2+s7+$0x0], $0xffff;
	v18 =	vmul.bf16 v23, v20;
	v20 =	vadd.bf16 v59, v10  }
0x91: {  	s24 =	sor.u32 $0x11000, s17;
	v10 =	vmul.bf16 v57, v23;
	v14 =	vmul.bf16 v57, v14;
	v62 =	vadd.bf16 v11, v16;
	v11 =	vld.idx.msk [tilespmem:v3+s9+$0x0], $0xffff;
	[dreg:$0x17] =	wrdreg s20  }
0x92: {  	v7 =	vmul.bf16 v8, v7;
	v23 =	vadd.bf16 v27, v25;
	v8 =	vadd.bf16 v18, v19;
	[dreg:$0x16] =	wrdreg s24  }
0x93: {  	s16 =	sor.u32 $0x15000, s2;
	v16 =	vadd.bf16 v10, v15;
	v17 =	vadd.bf16 v14, v17;
	v15 =	vmul.bf16 v21, v58;
	v14 =	vld.idx.msk [tilespmem:v2+s9+$0x0], $0xffff  }
0x94: {  	s2 =	sor.u32 $0x13000, s17;
	s5 =	sor.u32 $0x12000, s17;
	s20 =	sshll.u32 s15, $0xD;
	v18 =	vadd.bf16 v9, v61;
	v63 =	vmul.bf16 v22, v21;
	v10 =	vld.idx.msk [tilespmem:v5+s10+$0x0], $0xffff;
	v5 =	vadd.bf16 v7, v20  }
0x95: {  	s1 =	sadd.s32 $0x20, s1;
	s24 =	simm.s32 $0x0;
	s19 =	sor.u32 $0x14000, s20;
	v21 =	vmul.bf16 v60, v22;
	v22 =	vmul.bf16 v60, v58;
	v19 =	vadd.bf16 v15, v62;
	v15 =	vld.idx.msk [tilespmem:v4+s10+$0x0], $0xffff  }
0x96: {  	s18 =	sor.u32 $0x14800, s20;
	s17 =	sor.u32 $0x15000, s20;
	s20 =	sor.u32 $0x15800, s20;
	[tilespmem:s16+$0x810] =	vst v28;
	v20 =	vadd.bf16 v63, v8;
	v8 =	vld.idx.msk [tilespmem:v3+s11+$0x0], $0xffff;
	v4 =	vadd.bf16 v6, v23;
	v6 =	vunpack.i.u.bf16.f32 v18  }
.LBB2_3:
0x97: {  	v9 =	vld [tilespmem:s1+$0x0];
	v7 =	vadd.bf16 v21, v16;
	v16 =	vadd.bf16 v22, v17;
	v3 =	vmul.bf16 v12, v13;
	s21 =	sadd.s32 $0x20, s21  }
0x98: {  	v12 =	vmul.bf16 v11, v12;
	v1 =	vadd.bf16 v1, v5;
	v18 =	vunpack.i.l.bf16.f32 v18;
	s12 =	sadd.s32 $0x20, s12;
	v17 =	vld [tilespmem:s21+$0x0]  }
0x99: {  	v5 =	vmul.bf16 v14, v11;
	v11 =	vmul.bf16 v14, v13;
	v21 =	vld [tilespmem:s12+$0x0];
	v19 =	vadd.bf16 v3, v19  }
0x9a: {  	v13 =	vunpack.i.u.bf16.f32 v4;
	v14 =	vunpack.i.l.bf16.f32 v4;
	v12 =	vadd.bf16 v12, v20;
	v3 =	vld [tilespmem:s21+$0xFFFFFFF0]  }
0x9b: {  	s24 =	sadd.s32 $0x2, s24;
	v7 =	vadd.bf16 v5, v7;
	v11 =	vadd.bf16 v11, v16;
	v16 =	vmul.bf16 v15, v10;
	v4 =	vld [tilespmem:s12+$0xFFFFFFF0]  }
0x9c: {  	p1 =	slt.u32 s24, $0x7E;
	v20 =	vunpack.i.u.bf16.f32 v1;
	v1 =	vunpack.i.l.bf16.f32 v1;
	v15 =	vmul.bf16 v8, v15;
	v5 =	vld [tilespmem:s1+$0xFFFFFFF0]  }
0x9d: {  	s23 =	sadd.s32 $0x20, s23;
	v6 =	vadd.f32 v18, v6;
	v16 =	vadd.bf16 v16, v19;
	v2 =	vld.idx.msk [tilespmem:v2+s11+$0x0], $0xffff  }
0x9e: {  	v13 =	vadd.f32 v14, v13;
	v12 =	vadd.bf16 v15, v12;
	v18 =	vld [tilespmem:s23+$0x0]  }
0x9f: {  	v1 =	vadd.f32 v1, v20;
	v15 =	vunpack.i.u.bf16.f32 v16;
	v16 =	vunpack.i.l.bf16.f32 v16;
	v14 =	vld.idx.msk [tilespmem:v9+s10+$0x0], $0xffff;
	[tilespmem:s16+$0xFFFFF010] =	vst v6  }
0xa0: {  	v6 =	vadd.f32 v16, v15;
	v15 =	vunpack.i.u.bf16.f32 v12;
	v12 =	vunpack.i.l.bf16.f32 v12;
	v19 =	vld.idx.msk [tilespmem:v17+s10+$0x0], $0xffff;
	[tilespmem:s16+$0xFFFFF810] =	vst v13  }
0xa1: {  	v12 =	vadd.f32 v12, v15;
	v13 =	vld.idx.msk [tilespmem:v21+s11+$0x0], $0xffff;
	[tilespmem:s16+$0x10] =	vst v1  }
0xa2: {  	v15 =	vld.idx.msk [tilespmem:v17+s4+$0x0], $0xffff;
	[tilespmem:s16+$0xFFFFF000] =	vst v6  }
0xa3: {  	v1 =	vmul.bf16 v2, v8;
	v2 =	vmul.bf16 v2, v10;
	v16 =	vld.idx.msk [tilespmem:v21+s22+$0x0], $0xffff;
	[tilespmem:s16+$0x800] =	vst v12  }
0xa4: {  	v20 =	vld.idx.msk [tilespmem:v17+s25+$0x0], $0xffff  }
0xa5: {  	v1 =	vadd.bf16 v1, v7;
	v2 =	vadd.bf16 v2, v11;
	v22 =	vld.idx.msk [tilespmem:v21+s26+$0x0], $0xffff  }
0xa6: {  	v6 =	vmul.bf16 v19, v14;
	v23 =	vld.idx.msk [tilespmem:v17+s28+$0x0], $0xffff  }
0xa7: {  	v7 =	vunpack.i.u.bf16.f32 v1;
	v1 =	vunpack.i.l.bf16.f32 v1;
	v8 =	vunpack.i.u.bf16.f32 v2;
	v24 =	vld.idx.msk [tilespmem:v21+s29+$0x0], $0xffff  }
0xa8: {  	v2 =	vunpack.i.l.bf16.f32 v2;
	v1 =	vadd.f32 v1, v7;
	v25 =	vld.idx.msk [tilespmem:v17+s30+$0x0], $0xffff  }
0xa9: {  	v2 =	vadd.f32 v2, v8;
	v7 =	vmul.bf16 v16, v15;
	v26 =	vld.idx.msk [tilespmem:v21+s31+$0x0], $0xffff  }
0xaa: {  	v27 =	vld.idx.msk [tilespmem:v17+s0+$0x0], $0xffff;
	[tilespmem:s16+$0xFFFFF800] =	vst v1  }
0xab: {  	v1 =	vadd.bf16 v0, v7;
	v7 =	vmul.bf16 v22, v20;
	v28 =	vld.idx.msk [tilespmem:v21+s3+$0x0], $0xffff;
	[tilespmem:s16+$0x0] =	vst v2  }
0xac: {  	v2 =	vld.idx.msk [tilespmem:v17+s6+$0x0], $0xffff  }
0xad: {  	v1 =	vadd.bf16 v7, v1;
	v7 =	vmul.bf16 v24, v23;
	v12 =	vld.idx.msk [tilespmem:v21+s7+$0x0], $0xffff  }
0xae: {  	v8 =	vld.idx.msk [tilespmem:v17+s8+$0x0], $0xffff  }
0xaf: {  	v1 =	vadd.bf16 v7, v1;
	v7 =	vmul.bf16 v26, v25;
	v10 =	vld.idx.msk [tilespmem:v21+s9+$0x0], $0xffff  }
0xb0: {  	v11 =	vld.idx.msk [tilespmem:v18+s11+$0x0], $0xffff  }
0xb1: {  	v1 =	vadd.bf16 v7, v1;
	v7 =	vmul.bf16 v28, v27;
	v17 =	vld.idx.msk [tilespmem:v9+s8+$0x0], $0xffff  }
0xb2: {  	v21 =	vld.idx.msk [tilespmem:v18+s9+$0x0], $0xffff  }
0xb3: {  	v1 =	vadd.bf16 v7, v1;
	v7 =	vmul.bf16 v12, v2;
	v29 =	vld.idx.msk [tilespmem:v9+s6+$0x0], $0xffff  }
0xb4: {  	v30 =	vld.idx.msk [tilespmem:v18+s7+$0x0], $0xffff  }
0xb5: {  	v32 =	vadd.bf16 v7, v1;
	v33 =	vmul.bf16 v10, v8;
	v31 =	vld.idx.msk [tilespmem:v9+s0+$0x0], $0xffff  }
0xb6: {  	v7 =	vmul.bf16 v11, v13;
	v1 =	vmul.bf16 v11, v14;
	v34 =	vld.idx.msk [tilespmem:v18+s3+$0x0], $0xffff  }
0xb7: {  	v13 =	vmul.bf16 v13, v19;
	v11 =	vmul.bf16 v8, v17;
	v32 =	vadd.bf16 v33, v32;
	v14 =	vld.idx.msk [tilespmem:v9+s30+$0x0], $0xffff  }
0xb8: {  	v10 =	vmul.bf16 v21, v10;
	v8 =	vmul.bf16 v21, v17;
	v19 =	vld.idx.msk [tilespmem:v18+s31+$0x0], $0xffff  }
0xb9: {  	v21 =	vmul.bf16 v2, v29;
	v2 =	vadd.bf16 v13, v32;
	v17 =	vld.idx.msk [tilespmem:v9+s28+$0x0], $0xffff  }
0xba: {  	v32 =	vmul.bf16 v30, v12;
	v12 =	vmul.bf16 v30, v29;
	v13 =	vld.idx.msk [tilespmem:v18+s29+$0x0], $0xffff  }
0xbb: {  	v27 =	vmul.bf16 v27, v31;
	v30 =	vunpack.i.u.bf16.f32 v2;
	v2 =	vunpack.i.l.bf16.f32 v2;
	v29 =	vld.idx.msk [tilespmem:v9+s25+$0x0], $0xffff  }
0xbc: {  	v28 =	vmul.bf16 v34, v28;
	v31 =	vmul.bf16 v34, v31;
	v2 =	vadd.f32 v2, v30;
	v33 =	vld.idx.msk [tilespmem:v18+s26+$0x0], $0xffff  }
0xbd: {  	s16 =	sadd.s32 $0x20, s16;
	v25 =	vmul.bf16 v25, v14;
	v9 =	vld.idx.msk [tilespmem:v9+s4+$0x0], $0xffff  }
0xbe: {  	v26 =	vmul.bf16 v19, v26;
	v14 =	vmul.bf16 v19, v14;
	v18 =	vld.idx.msk [tilespmem:v18+s22+$0x0], $0xffff;
	[tilespmem:s16+$0x810] =	vst v2  }
0xbf: {  	v19 =	vmul.bf16 v23, v17;
	v2 =	vld [tilespmem:s23+$0xFFFFFFF0]  }
0xc0: {  	v24 =	vmul.bf16 v13, v24;
	v13 =	vmul.bf16 v13, v17;
	v23 =	vld.idx.msk [tilespmem:v5+s4+$0x0], $0xffff  }
0xc1: {  	v20 =	vmul.bf16 v20, v29;
	v17 =	vld.idx.msk [tilespmem:v3+s4+$0x0], $0xffff  }
0xc2: {  	v22 =	vmul.bf16 v33, v22;
	v29 =	vmul.bf16 v33, v29;
	v30 =	vld.idx.msk [tilespmem:v4+s22+$0x0], $0xffff  }
0xc3: {  	v15 =	vmul.bf16 v15, v9;
	v33 =	vld.idx.msk [tilespmem:v5+s25+$0x0], $0xffff  }
0xc4: {  	v16 =	vmul.bf16 v18, v16;
	v9 =	vmul.bf16 v18, v9;
	v34 =	vld.idx.msk [tilespmem:v3+s25+$0x0], $0xffff  }
0xc5: {  	v15 =	vadd.bf16 v0, v15;
	v18 =	vld.idx.msk [tilespmem:v4+s26+$0x0], $0xffff  }
0xc6: {  	v16 =	vadd.bf16 v0, v16;
	v9 =	vadd.bf16 v0, v9;
	v35 =	vld.idx.msk [tilespmem:v5+s28+$0x0], $0xffff  }
0xc7: {  	v37 =	vmul.bf16 v17, v23;
	v15 =	vadd.bf16 v20, v15;
	v36 =	vld.idx.msk [tilespmem:v2+s22+$0x0], $0xffff  }
0xc8: {  	v17 =	vmul.bf16 v30, v17;
	v16 =	vadd.bf16 v22, v16;
	v9 =	vadd.bf16 v29, v9;
	v20 =	vld.idx.msk [tilespmem:v2+s26+$0x0], $0xffff  }
0xc9: {  	v22 =	vadd.bf16 v0, v37;
	v15 =	vadd.bf16 v19, v15;
	v29 =	vld.idx.msk [tilespmem:v3+s28+$0x0], $0xffff  }
0xca: {  	v17 =	vadd.bf16 v0, v17;
	v19 =	vmul.bf16 v34, v33;
	v16 =	vadd.bf16 v24, v16;
	v37 =	vld.idx.msk [tilespmem:v4+s29+$0x0], $0xffff  }
0xcb: {  	v9 =	vadd.bf16 v13, v9;
	v24 =	vmul.bf16 v18, v34;
	v13 =	vadd.bf16 v25, v15;
	v34 =	vld.idx.msk [tilespmem:v2+s29+$0x0], $0xffff  }
0xcc: {  	v15 =	vadd.bf16 v19, v22;
	v16 =	vadd.bf16 v26, v16;
	v19 =	vld.idx.msk [tilespmem:v5+s30+$0x0], $0xffff  }
0xcd: {  	v22 =	vmul.bf16 v36, v30;
	v23 =	vmul.bf16 v36, v23;
	v17 =	vadd.bf16 v24, v17;
	v24 =	vld.idx.msk [tilespmem:v3+s30+$0x0], $0xffff  }
0xce: {  	v9 =	vadd.bf16 v14, v9;
	v18 =	vmul.bf16 v20, v18;
	v20 =	vmul.bf16 v20, v33;
	v25 =	vld.idx.msk [tilespmem:v4+s31+$0x0], $0xffff  }
0xcf: {  	v14 =	vadd.bf16 v0, v22;
	v22 =	vadd.bf16 v0, v23;
	v23 =	vmul.bf16 v29, v35;
	v26 =	vld.idx.msk [tilespmem:v2+s31+$0x0], $0xffff  }
0xd0: {  	v13 =	vadd.bf16 v27, v13;
	v16 =	vadd.bf16 v28, v16;
	v29 =	vmul.bf16 v37, v29;
	v30 =	vld.idx.msk [tilespmem:v5+s0+$0x0], $0xffff  }
0xd1: {  	v14 =	vadd.bf16 v18, v14;
	v18 =	vadd.bf16 v20, v22;
	v20 =	vmul.bf16 v34, v37;
	v22 =	vld.idx.msk [tilespmem:v3+s0+$0x0], $0xffff  }
0xd2: {  	v15 =	vadd.bf16 v23, v15;
	v23 =	vmul.bf16 v34, v35;
	v17 =	vadd.bf16 v29, v17;
	v27 =	vld.idx.msk [tilespmem:v4+s3+$0x0], $0xffff  }
0xd3: {  	v9 =	vadd.bf16 v31, v9;
	v14 =	vadd.bf16 v20, v14;
	v20 =	vmul.bf16 v24, v19;
	v28 =	vld.idx.msk [tilespmem:v2+s3+$0x0], $0xffff  }
0xd4: {  	v21 =	vadd.bf16 v21, v13;
	v18 =	vadd.bf16 v23, v18;
	v23 =	vmul.bf16 v25, v24;
	v24 =	vld.idx.msk [tilespmem:v5+s6+$0x0], $0xffff  }
0xd5: {  	v15 =	vadd.bf16 v20, v15;
	v13 =	vmul.bf16 v26, v25;
	v19 =	vmul.bf16 v26, v19;
	v20 =	vld.idx.msk [tilespmem:v3+s6+$0x0], $0xffff  }
0xd6: {  	v16 =	vadd.bf16 v32, v16;
	v17 =	vadd.bf16 v23, v17;
	v23 =	vld.idx.msk [tilespmem:v4+s7+$0x0], $0xffff  }
0xd7: {  	v14 =	vadd.bf16 v13, v14;
	v18 =	vadd.bf16 v19, v18;
	v19 =	vmul.bf16 v22, v30;
	v25 =	vld.idx.msk [tilespmem:v2+s7+$0x0], $0xffff  }
0xd8: {  	v9 =	vadd.bf16 v12, v9;
	v21 =	vadd.bf16 v11, v21;
	v22 =	vmul.bf16 v27, v22;
	v13 =	vld.idx.msk [tilespmem:v5+s8+$0x0], $0xffff  }
0xd9: {  	v15 =	vadd.bf16 v19, v15;
	v19 =	vmul.bf16 v28, v27;
	v26 =	vmul.bf16 v28, v30;
	v12 =	vld.idx.msk [tilespmem:v3+s8+$0x0], $0xffff  }
.Ltmp0:
0xda: {  	v28 =	vadd.bf16 v10, v16;
	v27 =	vadd.bf16 v22, v17;
	v11 =	vld.idx.msk [tilespmem:v4+s9+$0x0], $0xffff;
	(pc) =	sbr.rel @p1 .LBB2_3-.Ltmp0, $4  }
0xdb: {  	v16 =	vadd.bf16 v19, v14;
	v17 =	vadd.bf16 v26, v18;
	v19 =	vmul.bf16 v20, v24;
	v14 =	vld.idx.msk [tilespmem:v2+s9+$0x0], $0xffff  }
0xdc: {  	v18 =	vadd.bf16 v6, v21;
	v20 =	vmul.bf16 v23, v20;
	v10 =	vld.idx.msk [tilespmem:v5+s10+$0x0], $0xffff;
	v5 =	vadd.bf16 v8, v9  }
0xdd: {  	v19 =	vadd.bf16 v19, v15;
	v21 =	vmul.bf16 v25, v23;
	v22 =	vmul.bf16 v25, v24;
	v15 =	vld.idx.msk [tilespmem:v3+s10+$0x0], $0xffff  }
0xde: {  	s1 =	sadd.s32 $0x20, s1;
	v6 =	vunpack.i.u.bf16.f32 v18;
	v20 =	vadd.bf16 v20, v27;
	v8 =	vld.idx.msk [tilespmem:v4+s11+$0x0], $0xffff;
	v4 =	vadd.bf16 v7, v28  }
0xdf: {  	_ =	sdelay $0x1  }
0xe0: {  	v3 =	vadd.bf16 v21, v16;
	v7 =	vadd.bf16 v22, v17  }
0xe1: {  	v9 =	vmul.bf16 v12, v13;
	v48 =	vmul.bf16 v11, v12;
	v1 =	vadd.bf16 v1, v5  }
0xe2: {  	v49 =	vunpack.i.l.bf16.f32 v18;
	v2 =	vld.idx.msk [tilespmem:v2+s11+$0x0], $0xffff;
	v50 =	vmul.bf16 v14, v11;
	v51 =	vmul.bf16 v14, v13  }
0xe3: {  	v52 =	vunpack.i.u.bf16.f32 v4;
	v54 =	vunpack.i.l.bf16.f32 v4;
	v5 =	vadd.f32 v49, v6  }
0xe4: {  	v9 =	vadd.bf16 v9, v19;
	v12 =	vadd.bf16 v48, v20;
	v53 =	vmul.bf16 v15, v10  }
0xe5: {  	v56 =	vunpack.i.u.bf16.f32 v1;
	v1 =	vunpack.i.l.bf16.f32 v1;
	v4 =	vadd.f32 v54, v52  }
0xe6: {  	v3 =	vadd.bf16 v50, v3;
	v55 =	vmul.bf16 v8, v15;
	v9 =	vadd.bf16 v53, v9  }
0xe7: {  	v7 =	vadd.bf16 v51, v7;
	v59 =	vmul.bf16 v2, v8;
	v2 =	vmul.bf16 v2, v10  }
0xe8: {  	v1 =	vadd.f32 v1, v56;
	v57 =	vadd.bf16 v55, v12;
	v58 =	vunpack.i.u.bf16.f32 v9  }
0xe9: {  	[tilespmem:s16+$0xFFFFF010] =	vst v5;
	v9 =	vunpack.i.l.bf16.f32 v9;
	v3 =	vadd.bf16 v59, v3;
	v2 =	vadd.bf16 v2, v7  }
0xea: {  	[tilespmem:s16+$0xFFFFF810] =	vst v4;
	v60 =	vadd.f32 v9, v58;
	v61 =	vunpack.i.u.bf16.f32 v57;
	v6 =	vunpack.i.l.bf16.f32 v57  }
0xeb: {  	[tilespmem:s16+$0x10] =	vst v1;
	v62 =	vadd.f32 v6, v61;
	v1 =	vunpack.i.u.bf16.f32 v3;
	v3 =	vunpack.i.l.bf16.f32 v3  }
0xec: {  	v63 =	vunpack.i.u.bf16.f32 v2;
	v2 =	vunpack.i.l.bf16.f32 v2;
	[tilespmem:s16+$0xFFFFF000] =	vst v60;
	v1 =	vadd.f32 v3, v1  }
0xed: {  	v2 =	vadd.f32 v2, v63;
	[tilespmem:s16+$0x800] =	vst v62  }
0xee: {  	s1 =	sshll.u32 s13, $0xB;
	s12 =	rddreg [dreg:$0xf];
	[tilespmem:s16+$0xFFFFF800] =	vst v1  }
0xef: {  	[tilespmem:s16+$0x0] =	vst v2;
	s12 =	sadd.s32 s12, s1  }
0xf0: {  	s16 =	rddreg [dreg:$0x4];
	s12 =	sshrl.u32 s12, $0x3  }
0xf1: {  	s15 =	sadd.s32 $0x3, s15;
	s21 =	rddreg [dreg:$0x10];
	s16 =	sadd.s32 s16, s12  }
0xf2: {  	[hbm4b:s16+s4] =	stream.linear.scatter [tilespmem:s19], [sflag:s15], $0x800, $0x38;
	[tilespmem:$0x18000] =	vst v63  }
0xf3: {  	s23 =	rddreg [dreg:$0x11];
	s16 =	sadd.s32 s12, s21  }
0xf4: {  	[hbm4b:s16+s4] =	stream.linear.scatter [tilespmem:s18], [sflag:s15], $0x800, $0x38;
	[tilespmem:$0x18000] =	vst v63  }
0xf5: {  	s24 =	rddreg [dreg:$0x12];
	s16 =	sadd.s32 s12, s23  }
0xf6: {  	[hbm4b:s16+s4] =	stream.linear.scatter [tilespmem:s17], [sflag:s15], $0x800, $0x38;
	[tilespmem:$0x18000] =	vst v63  }
0xf7: {  	s12 =	sadd.s32 s12, s24  }
0xf8: {  	[hbm4b:s12+s4] =	stream.linear.scatter [tilespmem:s20], [sflag:s15], $0x800, $0x38;
	[tilespmem:$0x18000] =	vst v63  }
0xf9: {  	p1 =	sgt.u32 s13, $0x5;
	s12 =	rddreg [dreg:$0x13]  }
0xfa: {  	s1 =	sadd.s32 @!p1 s1, s12  }
0xfb: {  	s16 =	rddreg [dreg:$0x1];
	s1 =	sshrl.u32 @!p1 s1, $0x3  }
0xfc: {  	s17 =	rddreg [dreg:$0x17];
	s15 =	simm.s32 @!p1 $0x0;
	s12 =	sadd.s32 @!p1 s16, s1  }
0xfd: {  	[tilespmem:s17], [sflag:s14] =	stream.linear.gather @!p1 [hbm4b:s12+s15], $0x800, $0x38;
	[tilespmem:$0x18000] =	vst v63  }
0xfe: {  	s12 =	sadd.s32 @!p1 $0x1000, s1  }
0xff: {  	s17 =	rddreg [dreg:$0x16];
	s16 =	sadd.s32 @!p1 s16, s12  }
0x100: {  	[tilespmem:s17], [sflag:s14] =	stream.linear.gather @!p1 [hbm4b:s16+s15], $0x800, $0x38;
	[tilespmem:$0x18000] =	vst v63  }
0x101: {  	s16 =	rddreg [dreg:$0x2]  }
0x102: {  	s1 =	sadd.s32 @!p1 s16, s1  }
0x103: {  	[tilespmem:s5], [sflag:s14] =	stream.linear.gather @!p1 [hbm4b:s1+s15], $0x800, $0x38;
	[tilespmem:$0x18000] =	vst v63  }
0x104: {  	s13 =	sadd.s32 $0x1, s13;
	s1 =	sadd.s32 @!p1 s16, s12  }
0x105: {  	[tilespmem:s2], [sflag:s14] =	stream.linear.gather @!p1 [hbm4b:s1+s15], $0x800, $0x38;
	[tilespmem:$0x18000] =	vst v63  }
0x106: {  	p1 =	sne.s32 s13, $0x8  }
.Ltmp1:
0x107: {  	_ = 	snop;
	(pc) =	sbr.rel @p1 .LBB2_2-.Ltmp1, $2  }
0x108: {  	_ =	sdelay $0x2  }
0x109: {  	p0 =	por !p0, !p0  }
0x10a: {  	s2 =	simm.s32 $0x3  }
0x10b: {  	_ =	swait.ge [sflag:s2], $0x800  }
0x10c: {  	[sflag:s2] =	ssyncset.done $0x0  }
0x10d: {  	[sflag:s2] =	ssyncadd.s32 $0xFFFFF800  }
0x10e: {  	_ =	swait.ge [sflag:s2], $0x800  }
0x10f: {  	[sflag:s2] =	ssyncset.done $0x0  }
0x110: {  	[sflag:s2] =	ssyncadd.s32 $0xFFFFF800  }
0x111: {  	_ =	swait.ge [sflag:s2], $0x800  }
0x112: {  	[sflag:s2] =	ssyncset.done $0x0  }
0x113: {  	[sflag:s2] =	ssyncadd.s32 $0xFFFFF800  }
0x114: {  	_ =	swait.ge [sflag:s2], $0x800  }
0x115: {  	[sflag:s2] =	ssyncset.done $0x0  }
0x116: {  	s5 =	simm.s32 $0x4;
	[sflag:s2] =	ssyncadd.s32 $0xFFFFF800  }
0x117: {  	_ =	swait.ge [sflag:s5], $0x800  }
0x118: {  	[sflag:s5] =	ssyncset.done $0x0  }
0x119: {  	[sflag:s5] =	ssyncadd.s32 $0xFFFFF800  }
0x11a: {  	_ =	swait.ge [sflag:s5], $0x800  }
0x11b: {  	[sflag:s5] =	ssyncset.done $0x0  }
0x11c: {  	[sflag:s5] =	ssyncadd.s32 $0xFFFFF800  }
0x11d: {  	_ =	swait.ge [sflag:s5], $0x800  }
0x11e: {  	[sflag:s5] =	ssyncset.done $0x0  }
0x11f: {  	[sflag:s5] =	ssyncadd.s32 $0xFFFFF800  }
0x120: {  	_ =	swait.ge [sflag:s5], $0x800  }
0x121: {  	s12 =	rddreg [dreg:$0x15]  }
0x122: {  	s1 =	rddreg [dreg:$0x14];
	s12 =	sadd.s32 $0x1, s12  }
0x123: {  	p0 =	sne.s32 s12, s1  }
.Ltmp2:
0x124: {  	_ = 	snop;
	(pc) =	sbr.rel @p0 .LBB2_1-.Ltmp2, $3  }
0x125: {  	_ =	sdelay $0x1  }
0x126: {  	[sflag:s5] =	ssyncset.done $0x0  }
0x127: {  	[sflag:s5] =	ssyncadd.s32 $0xFFFFF800  }
0x128: {  	_ =	sfence.sel $0x180000  }
0x129: {  	[bflag:$0x0] =	sbarrier.arrive $0xFFFF  }
0x12a: {  	_ =	strace $0x90000047  }
0x12b: {  	s0 =	stileid.u32;
	[bflag:$0x2] =	sbarrier.arrive $0xFFFF  }
0x12c: {  	p0 =	sne.s32 s0, $0x0;
	s0 =	rddreg [dreg:$0x3]  }
0x12d: {  	s0 =	sadd.s32 @!p0 $0x100000, s0  }
0x12e: {  	[sflag:s0] =	ssyncadd.tile.s32 @!p0 $0x1;
	_ =	shalt  }
.Lfunc_end2:
_tile_overlayer_lowered:
.L_overlay_start_2:
0x12f: {  	(tag) =	ssettag $0x2  }
0x130: {  	s0 =	rddreg [dreg:$0x0];
	s2 =	stileid.u32  }
0x131: {  	s1 =	rddreg [dreg:$0x1];
	p0 =	sne.s32 s2, $0x0  }
0x132: {  	s3 =	rddreg [dreg:$0x2];
	[bflag:$0x3] =	sbarrier.arrive $0xFFFF;
	s2 =	simm.s32 @!p0 $0x1C05  }
0x133: {  	[timem:s3], [sflag:s2] =	dma.local @!p0 [hbm:s0], s1  }
0x134: {  	s0 =	simm.s32 @!p0 $0x5  }
0x135: {  	_ =	swait.ge @!p0 [sflag:s0], s1  }
0x136: {  	s1 =	ssub.s32 @!p0 $0x0, s1;
	[sflag:s0] =	ssyncset.done @!p0 $0x0  }
0x137: {  	[sflag:s0] =	ssyncadd.s32 @!p0 s1  }
0x138: {  	[bflag:$0x3] =	sbarrier.arrive $0xFFFF  }
0x139: {  	_ =	shalt  }

</sc_bundles>
